<compile_context>
chip_gen: v7x
topology: tpu7x:2x2x1
jax: 0.10.2.dev20260603
libtpu: 0.0.44.dev20260713+nightly
codegen_flags: <defaults>
</compile_context>

<pallas_src>
import functools

import jax
import jax.numpy as jnp
from jax import lax
from jax.experimental import pallas as pl
from jax.experimental.pallas import tpu as pltpu
from jax.experimental.pallas import tpu_sc as plsc

_HIDDEN = 1024
_NC = 2
_NS = 16
_NW = _NC * _NS
_BATCH = 4
_SEQ = 8192
_WPB = _NW // _BATCH
_BPW = _SEQ // _WPB
_CHUNK = 16
_NCHUNK = _BPW // _CHUNK
_NSLOT = 4
_NSP = 2

_mesh = plsc.VectorSubcoreMesh(core_axis_name="c", subcore_axis_name="s")


@functools.partial(
    pl.kernel,
    mesh=_mesh,
    out_type=jax.ShapeDtypeStruct((_BATCH, _SEQ, _HIDDEN), jnp.float32),
    scratch_types=[
        pltpu.VMEM((_BPW,), jnp.int32),
        pltpu.VMEM((_NSLOT, _CHUNK, _HIDDEN), jnp.float32),
        pltpu.VMEM_SHARED((_NS, _NSP, _CHUNK, _HIDDEN), jnp.float32),
    ]
    + [pltpu.SemaphoreType.DMA] * (_NSLOT + _NSLOT + _NSP),
)
def _gather_kernel(ids_hbm, table_hbm, out_hbm, idx_v, rows_v, spmem, *sems):
    gsem = sems[:_NSLOT]
    csem = sems[_NSLOT : 2 * _NSLOT]
    dsem = sems[2 * _NSLOT :]
    wid = lax.axis_index("s") * _NC + lax.axis_index("c")
    sid = lax.axis_index("s")
    row = wid // _WPB
    col = (wid % _WPB) * _BPW
    pltpu.sync_copy(ids_hbm.at[row, pl.ds(col, _BPW)], idx_v)

    def gather(j, b):
        jc = jnp.minimum(j, _NCHUNK - 1)
        pltpu.async_copy(
            table_hbm.at[idx_v.at[pl.ds(jc * _CHUNK, _CHUNK)]],
            rows_v.at[b],
            gsem[b],
        )

    def xbar(b, q):
        pltpu.async_copy(rows_v.at[b], spmem.at[sid, q], csem[b])

    def dma(j, q):
        pltpu.async_copy(
            spmem.at[sid, q],
            out_hbm.at[row, pl.ds(col + j * _CHUNK, _CHUNK)],
            dsem[q],
        )

    def wait_g(b):
        pltpu.make_async_copy(
            table_hbm.at[pl.ds(0, _CHUNK)], rows_v.at[b], gsem[b]
        ).wait()

    def wait_c(b):
        pltpu.make_async_copy(rows_v.at[b], spmem.at[sid, 0], csem[b]).wait()

    def wait_d(q):
        pltpu.make_async_copy(
            spmem.at[sid, q], out_hbm.at[row, pl.ds(col, _CHUNK)], dsem[q]
        ).wait()

    def step(j, b, first):
        q = b % _NSP
        wait_g(b)
        if not first:
            wait_d(q)
        xbar(b, q)
        gather(j + 2, (b + 2) % _NSLOT)
        wait_c(b)
        dma(j, q)

    gather(0, 0)
    gather(1, 1)
    for j in range(_NSLOT):
        step(j, j, first=j < _NSP)

    def body(i, carry):
        for b in range(_NSLOT):
            step(_NSLOT * i + b, b, first=False)
        return carry

    lax.fori_loop(1, _NCHUNK // _NSLOT, body, 0)

    wait_g(0)
    wait_g(1)
    wait_d(0)
    wait_d(1)


def kernel(input_ids, table):
    return _gather_kernel(input_ids, table)

# --- scband reference (transcript-rebuilt; emitter-appended) ---
"""Pipeline reference for scband-generanno-embeddings-3676492005694 (READ-ONLY COPY).

The authoritative reference and input builder live on the scoring server;
editing this copy changes nothing except your own understanding.
"""

import jax, jax.numpy as jnp
import numpy as np

VOCAB = 100000
HIDDEN = 1024
PAD = 0

def setup_inputs(seed: int = 0) -> dict:
    key = jax.random.key(seed)
    k1, k2 = jax.random.split(key)
    input_ids = jax.random.randint(k1, (4, 8192), 0, VOCAB, dtype=jnp.int64 if jax.config.jax_enable_x64 else jnp.int32).astype(jnp.int32)
    table = jax.random.normal(k2, (VOCAB, HIDDEN), dtype=jnp.float32)
    # torch nn.Embedding initializes padding_idx row to zeros
    table = table.at[PAD].set(0.0)
    return {"input_ids": input_ids, "table": table}

def reference(input_ids, table):
    # GenerannoEmbeddings.forward with inputs_embeds=None:
    # inputs_embeds = word_embeddings(input_ids)
    inputs_embeds = jnp.take(table, input_ids, axis=0)
    return inputs_embeds

if __name__ == "__main__":
    import jax
    _d = setup_inputs()
    print(jax.jit(kernel)(*tuple(_d.values())))

</pallas_src>

<mosaic_0001>
#map = affine_map<(d0, d1) -> (0, 0)>
#map1 = affine_map<(d0, d1) -> (0, 0, 0)>
module attributes {stable_mosaic.version = 14 : i64} {
  func.func @_gather_kernel(%arg0: i32, %arg1: i32, %arg2: memref<4x8192xi32, #tpu.memory_space<hbm>>, %arg3: memref<100000x1024xf32, #tpu.memory_space<hbm>>, %arg4: memref<4x8192x1024xf32, #tpu.memory_space<hbm>>, %arg5: memref<1024xi32, #tpu.memory_space<vmem>>, %arg6: memref<4x16x1024xf32, #tpu.memory_space<vmem>>, %arg7: memref<16x2x16x1024xf32, #tpu.memory_space<vmem_shared>>, %arg8: memref<!tpu.dma_semaphore, #tpu.memory_space<semaphore_mem>>, %arg9: memref<!tpu.dma_semaphore, #tpu.memory_space<semaphore_mem>>, %arg10: memref<!tpu.dma_semaphore, #tpu.memory_space<semaphore_mem>>, %arg11: memref<!tpu.dma_semaphore, #tpu.memory_space<semaphore_mem>>, %arg12: memref<!tpu.dma_semaphore, #tpu.memory_space<semaphore_mem>>, %arg13: memref<!tpu.dma_semaphore, #tpu.memory_space<semaphore_mem>>, %arg14: memref<!tpu.dma_semaphore, #tpu.memory_space<semaphore_mem>>, %arg15: memref<!tpu.dma_semaphore, #tpu.memory_space<semaphore_mem>>, %arg16: memref<!tpu.dma_semaphore, #tpu.memory_space<semaphore_mem>>, %arg17: memref<!tpu.dma_semaphore, #tpu.memory_space<semaphore_mem>>) attributes {dimension_semantics = [#tpu.dimension_semantics<core_parallel>, #tpu.dimension_semantics<subcore_parallel>], iteration_bounds = array<i64: 2, 16>, scalar_prefetch = 0 : i64, scratch_operands = 13 : i64, tpu.core_type = #tpu.core_type<sc_vector_subcore>, window_params = [{transform_indices = #map}, {transform_indices = #map}, {transform_indices = #map1}]} {
    %mul3A = arith.constant 2 : i32
    %mul3A_0 = arith.muli %arg1, %mul3A : i32
    %add3A = arith.addi %mul3A_0, %arg0 : i32
    %jit3A = arith.constant 8 : i32
    %div3A = arith.divsi %add3A, %jit3A : i32
    %sign3A = arith.constant 0 : i32
    %sign3A_1 = arith.cmpi sgt, %add3A, %sign3A : i32
    %sign3A_2 = arith.extui %sign3A_1 : i1 to i32
    %sign3A_3 = arith.constant 0 : i32
    %sign3A_4 = arith.cmpi slt, %add3A, %sign3A_3 : i32
    %sign3A_5 = arith.extui %sign3A_4 : i1 to i32
    %sign3A_6 = arith.subi %sign3A_2, %sign3A_5 : i32
    %sign3A_7 = arith.constant 0 : i32
    %sign3A_8 = arith.cmpi sgt, %jit3A, %sign3A_7 : i32
    %sign3A_9 = arith.extui %sign3A_8 : i1 to i32
    %sign3A_10 = arith.constant 0 : i32
    %sign3A_11 = arith.cmpi slt, %jit3A, %sign3A_10 : i32
    %sign3A_12 = arith.extui %sign3A_11 : i1 to i32
    %sign3A_13 = arith.subi %sign3A_9, %sign3A_12 : i32
    %ne3A = arith.cmpi ne, %sign3A_6, %sign3A_13 : i32
    %rem3A = arith.remsi %add3A, %jit3A : i32
    %ne3A_14 = arith.constant 0 : i32
    %ne3A_15 = arith.cmpi ne, %rem3A, %ne3A_14 : i32
    %and3A = arith.andi %ne3A, %ne3A_15 : i1
    %sub3A = arith.constant 1 : i32
    %sub3A_16 = arith.subi %div3A, %sub3A : i32
    %select_n3A = arith.select %and3A, %sub3A_16, %div3A : i32
    %jit3A_17 = arith.constant 8 : i32
    %eq3A = arith.constant 0 : i32
    %eq3A_18 = arith.cmpi eq, %jit3A_17, %eq3A : i32
    %jit3A_19 = arith.constant 1 : i32
    %select_n3A_20 = arith.select %eq3A_18, %jit3A_19, %jit3A_17 : i32
    %rem3A_21 = arith.remsi %add3A, %select_n3A_20 : i32
    %ne3A_22 = arith.constant 0 : i32
    %ne3A_23 = arith.cmpi ne, %rem3A_21, %ne3A_22 : i32
    %lt3A = arith.constant 0 : i32
    %lt3A_24 = arith.cmpi slt, %rem3A_21, %lt3A : i32
    %lt3A_25 = arith.constant 0 : i32
    %lt3A_26 = arith.cmpi slt, %select_n3A_20, %lt3A_25 : i32
    %ne3A_27 = arith.xori %lt3A_24, %lt3A_26 : i1
    %and3A_28 = arith.andi %ne3A_27, %ne3A_23 : i1
    %add3A_29 = arith.addi %rem3A_21, %select_n3A_20 : i32
    %select_n3A_30 = arith.select %and3A_28, %add3A_29, %rem3A_21 : i32
    %mul3A_31 = arith.constant 1024 : i32
    %mul3A_32 = arith.muli %select_n3A_30, %mul3A_31 : i32
    "tpu.region"() ({
      %run_scoped3A = tpu.sem_alloc : memref<!tpu.dma_semaphore, #tpu.memory_space<semaphore_mem>>
      %dma_start3A_425 = tpu.memref_slice %arg2[%select_n3A, %mul3A_32] : memref<4x8192xi32, #tpu.memory_space<hbm>> -> memref<1x1024xi32, #tpu.memory_space<hbm>>
      %dma_start3A_426 = tpu.memref_squeeze %dma_start3A_425 : memref<1x1024xi32, #tpu.memory_space<hbm>> -> memref<1024xi32, #tpu.memory_space<hbm>>
      %dma_start3A_427 = tpu.memref_slice %arg2[%select_n3A, %mul3A_32] : memref<4x8192xi32, #tpu.memory_space<hbm>> -> memref<1x1024xi32, #tpu.memory_space<hbm>>
      %dma_start3A_428 = tpu.memref_squeeze %dma_start3A_427 : memref<1x1024xi32, #tpu.memory_space<hbm>> -> memref<1024xi32, #tpu.memory_space<hbm>>
      tpu.enqueue_dma source(%dma_start3A_428 : memref<1024xi32, #tpu.memory_space<hbm>>) target(%arg5 : memref<1024xi32, #tpu.memory_space<vmem>>) target_semaphore(%run_scoped3A : memref<!tpu.dma_semaphore, #tpu.memory_space<semaphore_mem>>)
      %dma_wait3A_429 = tpu.memref_slice %arg2[%select_n3A, %mul3A_32] : memref<4x8192xi32, #tpu.memory_space<hbm>> -> memref<1x1024xi32, #tpu.memory_space<hbm>>
      %dma_wait3A_430 = tpu.memref_squeeze %dma_wait3A_429 : memref<1x1024xi32, #tpu.memory_space<hbm>> -> memref<1024xi32, #tpu.memory_space<hbm>>
      %dma_wait3A_431 = tpu.memref_slice %arg2[%select_n3A, %mul3A_32] : memref<4x8192xi32, #tpu.memory_space<hbm>> -> memref<1x1024xi32, #tpu.memory_space<hbm>>
      %dma_wait3A_432 = tpu.memref_squeeze %dma_wait3A_431 : memref<1x1024xi32, #tpu.memory_space<hbm>> -> memref<1024xi32, #tpu.memory_space<hbm>>
      tpu.wait_dma2 semaphore(%run_scoped3A : memref<!tpu.dma_semaphore, #tpu.memory_space<semaphore_mem>>) src(%dma_wait3A_432 : memref<1024xi32, #tpu.memory_space<hbm>>) dst(%arg5 : memref<1024xi32, #tpu.memory_space<vmem>>)
      tpu.yield
    }) : () -> ()
    %min3A = arith.constant 0 : i32
    %min3A_33 = arith.constant 63 : i32
    %min3A_34 = arith.minsi %min3A, %min3A_33 : i32
    %mul3A_35 = arith.constant 16 : i32
    %mul3A_36 = arith.muli %min3A_34, %mul3A_35 : i32
    %dma_start3A = arith.constant 0 : i32
    %dma_start3A_37 = arith.constant 0 : i32
    %dma_start3A_38 = arith.constant 0 : i32
    %dma_start3A_39 = tpu.memref_slice %arg6[%dma_start3A, %dma_start3A_37, %dma_start3A_38] : memref<4x16x1024xf32, #tpu.memory_space<vmem>> -> memref<1x16x1024xf32, #tpu.memory_space<vmem>>
    %dma_start3A_40 = tpu.memref_squeeze %dma_start3A_39 : memref<1x16x1024xf32, #tpu.memory_space<vmem>> -> memref<16x1024xf32, #tpu.memory_space<vmem>>
    %dma_start3A_41 = tpu.memref_slice %arg5[%mul3A_36] : memref<1024xi32, #tpu.memory_space<vmem>> -> memref<16xi32, #tpu.memory_space<vmem>>
    %dma_start3A_42 = arith.constant 0 : i32
    %dma_start3A_43 = arith.constant 0 : i32
    %dma_start3A_44 = tpu.memref_slice %arg3[%dma_start3A_42, %dma_start3A_43] : memref<100000x1024xf32, #tpu.memory_space<hbm>> -> memref<100000x1024xf32, #tpu.memory_space<hbm>>
    tpu.enqueue_indirect_dma source(%dma_start3A_44 : memref<100000x1024xf32, #tpu.memory_space<hbm>>) target(%dma_start3A_40 : memref<16x1024xf32, #tpu.memory_space<vmem>>) offsets(%dma_start3A_41 : memref<16xi32, #tpu.memory_space<vmem>>) semaphore(%arg8 : memref<!tpu.dma_semaphore, #tpu.memory_space<semaphore_mem>>)
    %min3A_45 = arith.constant 1 : i32
    %min3A_46 = arith.constant 63 : i32
    %min3A_47 = arith.minsi %min3A_45, %min3A_46 : i32
    %mul3A_48 = arith.constant 16 : i32
    %mul3A_49 = arith.muli %min3A_47, %mul3A_48 : i32
    %dma_start3A_50 = arith.constant 1 : i32
    %dma_start3A_51 = arith.constant 0 : i32
    %dma_start3A_52 = arith.constant 0 : i32
    %dma_start3A_53 = tpu.memref_slice %arg6[%dma_start3A_50, %dma_start3A_51, %dma_start3A_52] : memref<4x16x1024xf32, #tpu.memory_space<vmem>> -> memref<1x16x1024xf32, #tpu.memory_space<vmem>>
    %dma_start3A_54 = tpu.memref_squeeze %dma_start3A_53 : memref<1x16x1024xf32, #tpu.memory_space<vmem>> -> memref<16x1024xf32, #tpu.memory_space<vmem>>
    %dma_start3A_55 = tpu.memref_slice %arg5[%mul3A_49] : memref<1024xi32, #tpu.memory_space<vmem>> -> memref<16xi32, #tpu.memory_space<vmem>>
    %dma_start3A_56 = arith.constant 0 : i32
    %dma_start3A_57 = arith.constant 0 : i32
    %dma_start3A_58 = tpu.memref_slice %arg3[%dma_start3A_56, %dma_start3A_57] : memref<100000x1024xf32, #tpu.memory_space<hbm>> -> memref<100000x1024xf32, #tpu.memory_space<hbm>>
    tpu.enqueue_indirect_dma source(%dma_start3A_58 : memref<100000x1024xf32, #tpu.memory_space<hbm>>) target(%dma_start3A_54 : memref<16x1024xf32, #tpu.memory_space<vmem>>) offsets(%dma_start3A_55 : memref<16xi32, #tpu.memory_space<vmem>>) semaphore(%arg9 : memref<!tpu.dma_semaphore, #tpu.memory_space<semaphore_mem>>)
    %dma_wait3A = arith.constant 0 : i32
    %dma_wait3A_59 = arith.constant 0 : i32
    %dma_wait3A_60 = arith.constant 0 : i32
    %dma_wait3A_61 = tpu.memref_slice %arg6[%dma_wait3A, %dma_wait3A_59, %dma_wait3A_60] : memref<4x16x1024xf32, #tpu.memory_space<vmem>> -> memref<1x16x1024xf32, #tpu.memory_space<vmem>>
    %dma_wait3A_62 = tpu.memref_squeeze %dma_wait3A_61 : memref<1x16x1024xf32, #tpu.memory_space<vmem>> -> memref<16x1024xf32, #tpu.memory_space<vmem>>
    %dma_wait3A_63 = arith.constant 0 : i32
    %dma_wait3A_64 = arith.constant 0 : i32
    %dma_wait3A_65 = tpu.memref_slice %arg3[%dma_wait3A_63, %dma_wait3A_64] : memref<100000x1024xf32, #tpu.memory_space<hbm>> -> memref<16x1024xf32, #tpu.memory_space<hbm>>
    %dma_wait3A_66 = arith.constant 0 : i32
    %dma_wait3A_67 = arith.constant 0 : i32
    %dma_wait3A_68 = tpu.memref_slice %arg6[%dma_wait3A, %dma_wait3A_66, %dma_wait3A_67] : memref<4x16x1024xf32, #tpu.memory_space<vmem>> -> memref<1x16x1024xf32, #tpu.memory_space<vmem>>
    %dma_wait3A_69 = tpu.memref_squeeze %dma_wait3A_68 : memref<1x16x1024xf32, #tpu.memory_space<vmem>> -> memref<16x1024xf32, #tpu.memory_space<vmem>>
    %dma_wait3A_70 = arith.constant 0 : i32
    %dma_wait3A_71 = arith.constant 0 : i32
    %dma_wait3A_72 = tpu.memref_slice %arg3[%dma_wait3A_70, %dma_wait3A_71] : memref<100000x1024xf32, #tpu.memory_space<hbm>> -> memref<16x1024xf32, #tpu.memory_space<hbm>>
    tpu.wait_dma2 semaphore(%arg8 : memref<!tpu.dma_semaphore, #tpu.memory_space<semaphore_mem>>) src(%dma_wait3A_72 : memref<16x1024xf32, #tpu.memory_space<hbm>>) dst(%dma_wait3A_69 : memref<16x1024xf32, #tpu.memory_space<vmem>>)
    %dma_start3A_73 = arith.constant 0 : i32
    %dma_start3A_74 = arith.constant 0 : i32
    %dma_start3A_75 = arith.constant 0 : i32
    %dma_start3A_76 = arith.constant 0 : i32
    %dma_start3A_77 = tpu.memref_slice %arg6[%dma_start3A_73, %dma_start3A_75, %dma_start3A_76] : memref<4x16x1024xf32, #tpu.memory_space<vmem>> -> memref<1x16x1024xf32, #tpu.memory_space<vmem>>
    %dma_start3A_78 = tpu.memref_squeeze %dma_start3A_77 : memref<1x16x1024xf32, #tpu.memory_space<vmem>> -> memref<16x1024xf32, #tpu.memory_space<vmem>>
    %dma_start3A_79 = arith.constant 0 : i32
    %dma_start3A_80 = arith.constant 0 : i32
    %dma_start3A_81 = tpu.memref_slice %arg7[%arg1, %dma_start3A_74, %dma_start3A_79, %dma_start3A_80] : memref<16x2x16x1024xf32, #tpu.memory_space<vmem_shared>> -> memref<1x1x16x1024xf32, #tpu.memory_space<vmem_shared>>
    %dma_start3A_82 = tpu.memref_squeeze %dma_start3A_81 : memref<1x1x16x1024xf32, #tpu.memory_space<vmem_shared>> -> memref<16x1024xf32, #tpu.memory_space<vmem_shared>>
    %dma_start3A_83 = arith.constant 0 : i32
    %dma_start3A_84 = arith.constant 0 : i32
    %dma_start3A_85 = tpu.memref_slice %arg7[%arg1, %dma_start3A_74, %dma_start3A_83, %dma_start3A_84] : memref<16x2x16x1024xf32, #tpu.memory_space<vmem_shared>> -> memref<1x1x16x1024xf32, #tpu.memory_space<vmem_shared>>
    %dma_start3A_86 = tpu.memref_squeeze %dma_start3A_85 : memref<1x1x16x1024xf32, #tpu.memory_space<vmem_shared>> -> memref<16x1024xf32, #tpu.memory_space<vmem_shared>>
    %dma_start3A_87 = arith.constant 0 : i32
    %dma_start3A_88 = arith.constant 0 : i32
    %dma_start3A_89 = tpu.memref_slice %arg6[%dma_start3A_73, %dma_start3A_87, %dma_start3A_88] : memref<4x16x1024xf32, #tpu.memory_space<vmem>> -> memref<1x16x1024xf32, #tpu.memory_space<vmem>>
    %dma_start3A_90 = tpu.memref_squeeze %dma_start3A_89 : memref<1x16x1024xf32, #tpu.memory_space<vmem>> -> memref<16x1024xf32, #tpu.memory_space<vmem>>
    tpu.enqueue_dma source(%dma_start3A_90 : memref<16x1024xf32, #tpu.memory_space<vmem>>) target(%dma_start3A_86 : memref<16x1024xf32, #tpu.memory_space<vmem_shared>>) target_semaphore(%arg12 : memref<!tpu.dma_semaphore, #tpu.memory_space<semaphore_mem>>)
    %min3A_91 = arith.constant 2 : i32
    %min3A_92 = arith.constant 63 : i32
    %min3A_93 = arith.minsi %min3A_91, %min3A_92 : i32
    %mul3A_94 = arith.constant 16 : i32
    %mul3A_95 = arith.muli %min3A_93, %mul3A_94 : i32
    %dma_start3A_96 = arith.constant 2 : i32
    %dma_start3A_97 = arith.constant 0 : i32
    %dma_start3A_98 = arith.constant 0 : i32
    %dma_start3A_99 = tpu.memref_slice %arg6[%dma_start3A_96, %dma_start3A_97, %dma_start3A_98] : memref<4x16x1024xf32, #tpu.memory_space<vmem>> -> memref<1x16x1024xf32, #tpu.memory_space<vmem>>
    %dma_start3A_100 = tpu.memref_squeeze %dma_start3A_99 : memref<1x16x1024xf32, #tpu.memory_space<vmem>> -> memref<16x1024xf32, #tpu.memory_space<vmem>>
    %dma_start3A_101 = tpu.memref_slice %arg5[%mul3A_95] : memref<1024xi32, #tpu.memory_space<vmem>> -> memref<16xi32, #tpu.memory_space<vmem>>
    %dma_start3A_102 = arith.constant 0 : i32
    %dma_start3A_103 = arith.constant 0 : i32
    %dma_start3A_104 = tpu.memref_slice %arg3[%dma_start3A_102, %dma_start3A_103] : memref<100000x1024xf32, #tpu.memory_space<hbm>> -> memref<100000x1024xf32, #tpu.memory_space<hbm>>
    tpu.enqueue_indirect_dma source(%dma_start3A_104 : memref<100000x1024xf32, #tpu.memory_space<hbm>>) target(%dma_start3A_100 : memref<16x1024xf32, #tpu.memory_space<vmem>>) offsets(%dma_start3A_101 : memref<16xi32, #tpu.memory_space<vmem>>) semaphore(%arg10 : memref<!tpu.dma_semaphore, #tpu.memory_space<semaphore_mem>>)
    %dma_wait3A_105 = arith.constant 0 : i32
    %dma_wait3A_106 = arith.constant 0 : i32
    %dma_wait3A_107 = arith.constant 0 : i32
    %dma_wait3A_108 = arith.constant 0 : i32
    %dma_wait3A_109 = tpu.memref_slice %arg6[%dma_wait3A_105, %dma_wait3A_107, %dma_wait3A_108] : memref<4x16x1024xf32, #tpu.memory_space<vmem>> -> memref<1x16x1024xf32, #tpu.memory_space<vmem>>
    %dma_wait3A_110 = tpu.memref_squeeze %dma_wait3A_109 : memref<1x16x1024xf32, #tpu.memory_space<vmem>> -> memref<16x1024xf32, #tpu.memory_space<vmem>>
    %dma_wait3A_111 = arith.constant 0 : i32
    %dma_wait3A_112 = arith.constant 0 : i32
    %dma_wait3A_113 = tpu.memref_slice %arg7[%arg1, %dma_wait3A_106, %dma_wait3A_111, %dma_wait3A_112] : memref<16x2x16x1024xf32, #tpu.memory_space<vmem_shared>> -> memref<1x1x16x1024xf32, #tpu.memory_space<vmem_shared>>
    %dma_wait3A_114 = tpu.memref_squeeze %dma_wait3A_113 : memref<1x1x16x1024xf32, #tpu.memory_space<vmem_shared>> -> memref<16x1024xf32, #tpu.memory_space<vmem_shared>>
    %dma_wait3A_115 = arith.constant 0 : i32
    %dma_wait3A_116 = arith.constant 0 : i32
    %dma_wait3A_117 = tpu.memref_slice %arg7[%arg1, %dma_wait3A_106, %dma_wait3A_115, %dma_wait3A_116] : memref<16x2x16x1024xf32, #tpu.memory_space<vmem_shared>> -> memref<1x1x16x1024xf32, #tpu.memory_space<vmem_shared>>
    %dma_wait3A_118 = tpu.memref_squeeze %dma_wait3A_117 : memref<1x1x16x1024xf32, #tpu.memory_space<vmem_shared>> -> memref<16x1024xf32, #tpu.memory_space<vmem_shared>>
    %dma_wait3A_119 = arith.constant 0 : i32
    %dma_wait3A_120 = arith.constant 0 : i32
    %dma_wait3A_121 = tpu.memref_slice %arg6[%dma_wait3A_105, %dma_wait3A_119, %dma_wait3A_120] : memref<4x16x1024xf32, #tpu.memory_space<vmem>> -> memref<1x16x1024xf32, #tpu.memory_space<vmem>>
    %dma_wait3A_122 = tpu.memref_squeeze %dma_wait3A_121 : memref<1x16x1024xf32, #tpu.memory_space<vmem>> -> memref<16x1024xf32, #tpu.memory_space<vmem>>
    tpu.wait_dma2 semaphore(%arg12 : memref<!tpu.dma_semaphore, #tpu.memory_space<semaphore_mem>>) src(%dma_wait3A_122 : memref<16x1024xf32, #tpu.memory_space<vmem>>) dst(%dma_wait3A_118 : memref<16x1024xf32, #tpu.memory_space<vmem_shared>>)
    %add3A_123 = arith.constant 0 : i32
    %add3A_124 = arith.addi %mul3A_32, %add3A_123 : i32
    %dma_start3A_125 = arith.constant 0 : i32
    %dma_start3A_126 = arith.constant 0 : i32
    %dma_start3A_127 = tpu.memref_slice %arg4[%select_n3A, %add3A_124, %dma_start3A_126] : memref<4x8192x1024xf32, #tpu.memory_space<hbm>> -> memref<1x16x1024xf32, #tpu.memory_space<hbm>>
    %dma_start3A_128 = tpu.memref_squeeze %dma_start3A_127 : memref<1x16x1024xf32, #tpu.memory_space<hbm>> -> memref<16x1024xf32, #tpu.memory_space<hbm>>
    %dma_start3A_129 = arith.constant 0 : i32
    %dma_start3A_130 = arith.constant 0 : i32
    %dma_start3A_131 = tpu.memref_slice %arg7[%arg1, %dma_start3A_125, %dma_start3A_129, %dma_start3A_130] : memref<16x2x16x1024xf32, #tpu.memory_space<vmem_shared>> -> memref<1x1x16x1024xf32, #tpu.memory_space<vmem_shared>>
    %dma_start3A_132 = tpu.memref_squeeze %dma_start3A_131 : memref<1x1x16x1024xf32, #tpu.memory_space<vmem_shared>> -> memref<16x1024xf32, #tpu.memory_space<vmem_shared>>
    tpu.enqueue_dma source(%dma_start3A_132 : memref<16x1024xf32, #tpu.memory_space<vmem_shared>>) target(%dma_start3A_128 : memref<16x1024xf32, #tpu.memory_space<hbm>>) target_semaphore(%arg16 : memref<!tpu.dma_semaphore, #tpu.memory_space<semaphore_mem>>)
    %dma_wait3A_133 = arith.constant 1 : i32
    %dma_wait3A_134 = arith.constant 0 : i32
    %dma_wait3A_135 = arith.constant 0 : i32
    %dma_wait3A_136 = tpu.memref_slice %arg6[%dma_wait3A_133, %dma_wait3A_134, %dma_wait3A_135] : memref<4x16x1024xf32, #tpu.memory_space<vmem>> -> memref<1x16x1024xf32, #tpu.memory_space<vmem>>
    %dma_wait3A_137 = tpu.memref_squeeze %dma_wait3A_136 : memref<1x16x1024xf32, #tpu.memory_space<vmem>> -> memref<16x1024xf32, #tpu.memory_space<vmem>>
    %dma_wait3A_138 = arith.constant 0 : i32
    %dma_wait3A_139 = arith.constant 0 : i32
    %dma_wait3A_140 = tpu.memref_slice %arg3[%dma_wait3A_138, %dma_wait3A_139] : memref<100000x1024xf32, #tpu.memory_space<hbm>> -> memref<16x1024xf32, #tpu.memory_space<hbm>>
    %dma_wait3A_141 = arith.constant 0 : i32
    %dma_wait3A_142 = arith.constant 0 : i32
    %dma_wait3A_143 = tpu.memref_slice %arg6[%dma_wait3A_133, %dma_wait3A_141, %dma_wait3A_142] : memref<4x16x1024xf32, #tpu.memory_space<vmem>> -> memref<1x16x1024xf32, #tpu.memory_space<vmem>>
    %dma_wait3A_144 = tpu.memref_squeeze %dma_wait3A_143 : memref<1x16x1024xf32, #tpu.memory_space<vmem>> -> memref<16x1024xf32, #tpu.memory_space<vmem>>
    %dma_wait3A_145 = arith.constant 0 : i32
    %dma_wait3A_146 = arith.constant 0 : i32
    %dma_wait3A_147 = tpu.memref_slice %arg3[%dma_wait3A_145, %dma_wait3A_146] : memref<100000x1024xf32, #tpu.memory_space<hbm>> -> memref<16x1024xf32, #tpu.memory_space<hbm>>
    tpu.wait_dma2 semaphore(%arg9 : memref<!tpu.dma_semaphore, #tpu.memory_space<semaphore_mem>>) src(%dma_wait3A_147 : memref<16x1024xf32, #tpu.memory_space<hbm>>) dst(%dma_wait3A_144 : memref<16x1024xf32, #tpu.memory_space<vmem>>)
    %dma_start3A_148 = arith.constant 1 : i32
    %dma_start3A_149 = arith.constant 1 : i32
    %dma_start3A_150 = arith.constant 0 : i32
    %dma_start3A_151 = arith.constant 0 : i32
    %dma_start3A_152 = tpu.memref_slice %arg6[%dma_start3A_148, %dma_start3A_150, %dma_start3A_151] : memref<4x16x1024xf32, #tpu.memory_space<vmem>> -> memref<1x16x1024xf32, #tpu.memory_space<vmem>>
    %dma_start3A_153 = tpu.memref_squeeze %dma_start3A_152 : memref<1x16x1024xf32, #tpu.memory_space<vmem>> -> memref<16x1024xf32, #tpu.memory_space<vmem>>
    %dma_start3A_154 = arith.constant 0 : i32
    %dma_start3A_155 = arith.constant 0 : i32
    %dma_start3A_156 = tpu.memref_slice %arg7[%arg1, %dma_start3A_149, %dma_start3A_154, %dma_start3A_155] : memref<16x2x16x1024xf32, #tpu.memory_space<vmem_shared>> -> memref<1x1x16x1024xf32, #tpu.memory_space<vmem_shared>>
    %dma_start3A_157 = tpu.memref_squeeze %dma_start3A_156 : memref<1x1x16x1024xf32, #tpu.memory_space<vmem_shared>> -> memref<16x1024xf32, #tpu.memory_space<vmem_shared>>
    %dma_start3A_158 = arith.constant 0 : i32
    %dma_start3A_159 = arith.constant 0 : i32
    %dma_start3A_160 = tpu.memref_slice %arg7[%arg1, %dma_start3A_149, %dma_start3A_158, %dma_start3A_159] : memref<16x2x16x1024xf32, #tpu.memory_space<vmem_shared>> -> memref<1x1x16x1024xf32, #tpu.memory_space<vmem_shared>>
    %dma_start3A_161 = tpu.memref_squeeze %dma_start3A_160 : memref<1x1x16x1024xf32, #tpu.memory_space<vmem_shared>> -> memref<16x1024xf32, #tpu.memory_space<vmem_shared>>
    %dma_start3A_162 = arith.constant 0 : i32
    %dma_start3A_163 = arith.constant 0 : i32
    %dma_start3A_164 = tpu.memref_slice %arg6[%dma_start3A_148, %dma_start3A_162, %dma_start3A_163] : memref<4x16x1024xf32, #tpu.memory_space<vmem>> -> memref<1x16x1024xf32, #tpu.memory_space<vmem>>
    %dma_start3A_165 = tpu.memref_squeeze %dma_start3A_164 : memref<1x16x1024xf32, #tpu.memory_space<vmem>> -> memref<16x1024xf32, #tpu.memory_space<vmem>>
    tpu.enqueue_dma source(%dma_start3A_165 : memref<16x1024xf32, #tpu.memory_space<vmem>>) target(%dma_start3A_161 : memref<16x1024xf32, #tpu.memory_space<vmem_shared>>) target_semaphore(%arg13 : memref<!tpu.dma_semaphore, #tpu.memory_space<semaphore_mem>>)
    %min3A_166 = arith.constant 3 : i32
    %min3A_167 = arith.constant 63 : i32
    %min3A_168 = arith.minsi %min3A_166, %min3A_167 : i32
    %mul3A_169 = arith.constant 16 : i32
    %mul3A_170 = arith.muli %min3A_168, %mul3A_169 : i32
    %dma_start3A_171 = arith.constant 3 : i32
    %dma_start3A_172 = arith.constant 0 : i32
    %dma_start3A_173 = arith.constant 0 : i32
    %dma_start3A_174 = tpu.memref_slice %arg6[%dma_start3A_171, %dma_start3A_172, %dma_start3A_173] : memref<4x16x1024xf32, #tpu.memory_space<vmem>> -> memref<1x16x1024xf32, #tpu.memory_space<vmem>>
    %dma_start3A_175 = tpu.memref_squeeze %dma_start3A_174 : memref<1x16x1024xf32, #tpu.memory_space<vmem>> -> memref<16x1024xf32, #tpu.memory_space<vmem>>
    %dma_start3A_176 = tpu.memref_slice %arg5[%mul3A_170] : memref<1024xi32, #tpu.memory_space<vmem>> -> memref<16xi32, #tpu.memory_space<vmem>>
    %dma_start3A_177 = arith.constant 0 : i32
    %dma_start3A_178 = arith.constant 0 : i32
    %dma_start3A_179 = tpu.memref_slice %arg3[%dma_start3A_177, %dma_start3A_178] : memref<100000x1024xf32, #tpu.memory_space<hbm>> -> memref<100000x1024xf32, #tpu.memory_space<hbm>>
    tpu.enqueue_indirect_dma source(%dma_start3A_179 : memref<100000x1024xf32, #tpu.memory_space<hbm>>) target(%dma_start3A_175 : memref<16x1024xf32, #tpu.memory_space<vmem>>) offsets(%dma_start3A_176 : memref<16xi32, #tpu.memory_space<vmem>>) semaphore(%arg11 : memref<!tpu.dma_semaphore, #tpu.memory_space<semaphore_mem>>)
    %dma_wait3A_180 = arith.constant 1 : i32
    %dma_wait3A_181 = arith.constant 0 : i32
    %dma_wait3A_182 = arith.constant 0 : i32
    %dma_wait3A_183 = arith.constant 0 : i32
    %dma_wait3A_184 = tpu.memref_slice %arg6[%dma_wait3A_180, %dma_wait3A_182, %dma_wait3A_183] : memref<4x16x1024xf32, #tpu.memory_space<vmem>> -> memref<1x16x1024xf32, #tpu.memory_space<vmem>>
    %dma_wait3A_185 = tpu.memref_squeeze %dma_wait3A_184 : memref<1x16x1024xf32, #tpu.memory_space<vmem>> -> memref<16x1024xf32, #tpu.memory_space<vmem>>
    %dma_wait3A_186 = arith.constant 0 : i32
    %dma_wait3A_187 = arith.constant 0 : i32
    %dma_wait3A_188 = tpu.memref_slice %arg7[%arg1, %dma_wait3A_181, %dma_wait3A_186, %dma_wait3A_187] : memref<16x2x16x1024xf32, #tpu.memory_space<vmem_shared>> -> memref<1x1x16x1024xf32, #tpu.memory_space<vmem_shared>>
    %dma_wait3A_189 = tpu.memref_squeeze %dma_wait3A_188 : memref<1x1x16x1024xf32, #tpu.memory_space<vmem_shared>> -> memref<16x1024xf32, #tpu.memory_space<vmem_shared>>
    %dma_wait3A_190 = arith.constant 0 : i32
    %dma_wait3A_191 = arith.constant 0 : i32
    %dma_wait3A_192 = tpu.memref_slice %arg7[%arg1, %dma_wait3A_181, %dma_wait3A_190, %dma_wait3A_191] : memref<16x2x16x1024xf32, #tpu.memory_space<vmem_shared>> -> memref<1x1x16x1024xf32, #tpu.memory_space<vmem_shared>>
    %dma_wait3A_193 = tpu.memref_squeeze %dma_wait3A_192 : memref<1x1x16x1024xf32, #tpu.memory_space<vmem_shared>> -> memref<16x1024xf32, #tpu.memory_space<vmem_shared>>
    %dma_wait3A_194 = arith.constant 0 : i32
    %dma_wait3A_195 = arith.constant 0 : i32
    %dma_wait3A_196 = tpu.memref_slice %arg6[%dma_wait3A_180, %dma_wait3A_194, %dma_wait3A_195] : memref<4x16x1024xf32, #tpu.memory_space<vmem>> -> memref<1x16x1024xf32, #tpu.memory_space<vmem>>
    %dma_wait3A_197 = tpu.memref_squeeze %dma_wait3A_196 : memref<1x16x1024xf32, #tpu.memory_space<vmem>> -> memref<16x1024xf32, #tpu.memory_space<vmem>>
    tpu.wait_dma2 semaphore(%arg13 : memref<!tpu.dma_semaphore, #tpu.memory_space<semaphore_mem>>) src(%dma_wait3A_197 : memref<16x1024xf32, #tpu.memory_space<vmem>>) dst(%dma_wait3A_193 : memref<16x1024xf32, #tpu.memory_space<vmem_shared>>)
    %add3A_198 = arith.constant 16 : i32
    %add3A_199 = arith.addi %mul3A_32, %add3A_198 : i32
    %dma_start3A_200 = arith.constant 1 : i32
    %dma_start3A_201 = arith.constant 0 : i32
    %dma_start3A_202 = tpu.memref_slice %arg4[%select_n3A, %add3A_199, %dma_start3A_201] : memref<4x8192x1024xf32, #tpu.memory_space<hbm>> -> memref<1x16x1024xf32, #tpu.memory_space<hbm>>
    %dma_start3A_203 = tpu.memref_squeeze %dma_start3A_202 : memref<1x16x1024xf32, #tpu.memory_space<hbm>> -> memref<16x1024xf32, #tpu.memory_space<hbm>>
    %dma_start3A_204 = arith.constant 0 : i32
    %dma_start3A_205 = arith.constant 0 : i32
    %dma_start3A_206 = tpu.memref_slice %arg7[%arg1, %dma_start3A_200, %dma_start3A_204, %dma_start3A_205] : memref<16x2x16x1024xf32, #tpu.memory_space<vmem_shared>> -> memref<1x1x16x1024xf32, #tpu.memory_space<vmem_shared>>
    %dma_start3A_207 = tpu.memref_squeeze %dma_start3A_206 : memref<1x1x16x1024xf32, #tpu.memory_space<vmem_shared>> -> memref<16x1024xf32, #tpu.memory_space<vmem_shared>>
    tpu.enqueue_dma source(%dma_start3A_207 : memref<16x1024xf32, #tpu.memory_space<vmem_shared>>) target(%dma_start3A_203 : memref<16x1024xf32, #tpu.memory_space<hbm>>) target_semaphore(%arg17 : memref<!tpu.dma_semaphore, #tpu.memory_space<semaphore_mem>>)
    %dma_wait3A_208 = arith.constant 2 : i32
    %dma_wait3A_209 = arith.constant 0 : i32
    %dma_wait3A_210 = arith.constant 0 : i32
    %dma_wait3A_211 = tpu.memref_slice %arg6[%dma_wait3A_208, %dma_wait3A_209, %dma_wait3A_210] : memref<4x16x1024xf32, #tpu.memory_space<vmem>> -> memref<1x16x1024xf32, #tpu.memory_space<vmem>>
    %dma_wait3A_212 = tpu.memref_squeeze %dma_wait3A_211 : memref<1x16x1024xf32, #tpu.memory_space<vmem>> -> memref<16x1024xf32, #tpu.memory_space<vmem>>
    %dma_wait3A_213 = arith.constant 0 : i32
    %dma_wait3A_214 = arith.constant 0 : i32
    %dma_wait3A_215 = tpu.memref_slice %arg3[%dma_wait3A_213, %dma_wait3A_214] : memref<100000x1024xf32, #tpu.memory_space<hbm>> -> memref<16x1024xf32, #tpu.memory_space<hbm>>
    %dma_wait3A_216 = arith.constant 0 : i32
    %dma_wait3A_217 = arith.constant 0 : i32
    %dma_wait3A_218 = tpu.memref_slice %arg6[%dma_wait3A_208, %dma_wait3A_216, %dma_wait3A_217] : memref<4x16x1024xf32, #tpu.memory_space<vmem>> -> memref<1x16x1024xf32, #tpu.memory_space<vmem>>
    %dma_wait3A_219 = tpu.memref_squeeze %dma_wait3A_218 : memref<1x16x1024xf32, #tpu.memory_space<vmem>> -> memref<16x1024xf32, #tpu.memory_space<vmem>>
    %dma_wait3A_220 = arith.constant 0 : i32
    %dma_wait3A_221 = arith.constant 0 : i32
    %dma_wait3A_222 = tpu.memref_slice %arg3[%dma_wait3A_220, %dma_wait3A_221] : memref<100000x1024xf32, #tpu.memory_space<hbm>> -> memref<16x1024xf32, #tpu.memory_space<hbm>>
    tpu.wait_dma2 semaphore(%arg10 : memref<!tpu.dma_semaphore, #tpu.memory_space<semaphore_mem>>) src(%dma_wait3A_222 : memref<16x1024xf32, #tpu.memory_space<hbm>>) dst(%dma_wait3A_219 : memref<16x1024xf32, #tpu.memory_space<vmem>>)
    %dma_wait3A_223 = arith.constant 0 : i32
    %dma_wait3A_224 = arith.constant 0 : i32
    %dma_wait3A_225 = tpu.memref_slice %arg4[%select_n3A, %mul3A_32, %dma_wait3A_224] : memref<4x8192x1024xf32, #tpu.memory_space<hbm>> -> memref<1x16x1024xf32, #tpu.memory_space<hbm>>
    %dma_wait3A_226 = tpu.memref_squeeze %dma_wait3A_225 : memref<1x16x1024xf32, #tpu.memory_space<hbm>> -> memref<16x1024xf32, #tpu.memory_space<hbm>>
    %dma_wait3A_227 = arith.constant 0 : i32
    %dma_wait3A_228 = arith.constant 0 : i32
    %dma_wait3A_229 = tpu.memref_slice %arg7[%arg1, %dma_wait3A_223, %dma_wait3A_227, %dma_wait3A_228] : memref<16x2x16x1024xf32, #tpu.memory_space<vmem_shared>> -> memref<1x1x16x1024xf32, #tpu.memory_space<vmem_shared>>
    %dma_wait3A_230 = tpu.memref_squeeze %dma_wait3A_229 : memref<1x1x16x1024xf32, #tpu.memory_space<vmem_shared>> -> memref<16x1024xf32, #tpu.memory_space<vmem_shared>>
    tpu.wait_dma2 semaphore(%arg16 : memref<!tpu.dma_semaphore, #tpu.memory_space<semaphore_mem>>) src(%dma_wait3A_230 : memref<16x1024xf32, #tpu.memory_space<vmem_shared>>) dst(%dma_wait3A_226 : memref<16x1024xf32, #tpu.memory_space<hbm>>)
    %dma_start3A_231 = arith.constant 2 : i32
    %dma_start3A_232 = arith.constant 0 : i32
    %dma_start3A_233 = arith.constant 0 : i32
    %dma_start3A_234 = arith.constant 0 : i32
    %dma_start3A_235 = tpu.memref_slice %arg6[%dma_start3A_231, %dma_start3A_233, %dma_start3A_234] : memref<4x16x1024xf32, #tpu.memory_space<vmem>> -> memref<1x16x1024xf32, #tpu.memory_space<vmem>>
    %dma_start3A_236 = tpu.memref_squeeze %dma_start3A_235 : memref<1x16x1024xf32, #tpu.memory_space<vmem>> -> memref<16x1024xf32, #tpu.memory_space<vmem>>
    %dma_start3A_237 = arith.constant 0 : i32
    %dma_start3A_238 = arith.constant 0 : i32
    %dma_start3A_239 = tpu.memref_slice %arg7[%arg1, %dma_start3A_232, %dma_start3A_237, %dma_start3A_238] : memref<16x2x16x1024xf32, #tpu.memory_space<vmem_shared>> -> memref<1x1x16x1024xf32, #tpu.memory_space<vmem_shared>>
    %dma_start3A_240 = tpu.memref_squeeze %dma_start3A_239 : memref<1x1x16x1024xf32, #tpu.memory_space<vmem_shared>> -> memref<16x1024xf32, #tpu.memory_space<vmem_shared>>
    %dma_start3A_241 = arith.constant 0 : i32
    %dma_start3A_242 = arith.constant 0 : i32
    %dma_start3A_243 = tpu.memref_slice %arg7[%arg1, %dma_start3A_232, %dma_start3A_241, %dma_start3A_242] : memref<16x2x16x1024xf32, #tpu.memory_space<vmem_shared>> -> memref<1x1x16x1024xf32, #tpu.memory_space<vmem_shared>>
    %dma_start3A_244 = tpu.memref_squeeze %dma_start3A_243 : memref<1x1x16x1024xf32, #tpu.memory_space<vmem_shared>> -> memref<16x1024xf32, #tpu.memory_space<vmem_shared>>
    %dma_start3A_245 = arith.constant 0 : i32
    %dma_start3A_246 = arith.constant 0 : i32
    %dma_start3A_247 = tpu.memref_slice %arg6[%dma_start3A_231, %dma_start3A_245, %dma_start3A_246] : memref<4x16x1024xf32, #tpu.memory_space<vmem>> -> memref<1x16x1024xf32, #tpu.memory_space<vmem>>
    %dma_start3A_248 = tpu.memref_squeeze %dma_start3A_247 : memref<1x16x1024xf32, #tpu.memory_space<vmem>> -> memref<16x1024xf32, #tpu.memory_space<vmem>>
    tpu.enqueue_dma source(%dma_start3A_248 : memref<16x1024xf32, #tpu.memory_space<vmem>>) target(%dma_start3A_244 : memref<16x1024xf32, #tpu.memory_space<vmem_shared>>) target_semaphore(%arg14 : memref<!tpu.dma_semaphore, #tpu.memory_space<semaphore_mem>>)
    %min3A_249 = arith.constant 4 : i32
    %min3A_250 = arith.constant 63 : i32
    %min3A_251 = arith.minsi %min3A_249, %min3A_250 : i32
    %mul3A_252 = arith.constant 16 : i32
    %mul3A_253 = arith.muli %min3A_251, %mul3A_252 : i32
    %dma_start3A_254 = arith.constant 0 : i32
    %dma_start3A_255 = arith.constant 0 : i32
    %dma_start3A_256 = arith.constant 0 : i32
    %dma_start3A_257 = tpu.memref_slice %arg6[%dma_start3A_254, %dma_start3A_255, %dma_start3A_256] : memref<4x16x1024xf32, #tpu.memory_space<vmem>> -> memref<1x16x1024xf32, #tpu.memory_space<vmem>>
    %dma_start3A_258 = tpu.memref_squeeze %dma_start3A_257 : memref<1x16x1024xf32, #tpu.memory_space<vmem>> -> memref<16x1024xf32, #tpu.memory_space<vmem>>
    %dma_start3A_259 = tpu.memref_slice %arg5[%mul3A_253] : memref<1024xi32, #tpu.memory_space<vmem>> -> memref<16xi32, #tpu.memory_space<vmem>>
    %dma_start3A_260 = arith.constant 0 : i32
    %dma_start3A_261 = arith.constant 0 : i32
    %dma_start3A_262 = tpu.memref_slice %arg3[%dma_start3A_260, %dma_start3A_261] : memref<100000x1024xf32, #tpu.memory_space<hbm>> -> memref<100000x1024xf32, #tpu.memory_space<hbm>>
    tpu.enqueue_indirect_dma source(%dma_start3A_262 : memref<100000x1024xf32, #tpu.memory_space<hbm>>) target(%dma_start3A_258 : memref<16x1024xf32, #tpu.memory_space<vmem>>) offsets(%dma_start3A_259 : memref<16xi32, #tpu.memory_space<vmem>>) semaphore(%arg8 : memref<!tpu.dma_semaphore, #tpu.memory_space<semaphore_mem>>)
    %dma_wait3A_263 = arith.constant 2 : i32
    %dma_wait3A_264 = arith.constant 0 : i32
    %dma_wait3A_265 = arith.constant 0 : i32
    %dma_wait3A_266 = arith.constant 0 : i32
    %dma_wait3A_267 = tpu.memref_slice %arg6[%dma_wait3A_263, %dma_wait3A_265, %dma_wait3A_266] : memref<4x16x1024xf32, #tpu.memory_space<vmem>> -> memref<1x16x1024xf32, #tpu.memory_space<vmem>>
    %dma_wait3A_268 = tpu.memref_squeeze %dma_wait3A_267 : memref<1x16x1024xf32, #tpu.memory_space<vmem>> -> memref<16x1024xf32, #tpu.memory_space<vmem>>
    %dma_wait3A_269 = arith.constant 0 : i32
    %dma_wait3A_270 = arith.constant 0 : i32
    %dma_wait3A_271 = tpu.memref_slice %arg7[%arg1, %dma_wait3A_264, %dma_wait3A_269, %dma_wait3A_270] : memref<16x2x16x1024xf32, #tpu.memory_space<vmem_shared>> -> memref<1x1x16x1024xf32, #tpu.memory_space<vmem_shared>>
    %dma_wait3A_272 = tpu.memref_squeeze %dma_wait3A_271 : memref<1x1x16x1024xf32, #tpu.memory_space<vmem_shared>> -> memref<16x1024xf32, #tpu.memory_space<vmem_shared>>
    %dma_wait3A_273 = arith.constant 0 : i32
    %dma_wait3A_274 = arith.constant 0 : i32
    %dma_wait3A_275 = tpu.memref_slice %arg7[%arg1, %dma_wait3A_264, %dma_wait3A_273, %dma_wait3A_274] : memref<16x2x16x1024xf32, #tpu.memory_space<vmem_shared>> -> memref<1x1x16x1024xf32, #tpu.memory_space<vmem_shared>>
    %dma_wait3A_276 = tpu.memref_squeeze %dma_wait3A_275 : memref<1x1x16x1024xf32, #tpu.memory_space<vmem_shared>> -> memref<16x1024xf32, #tpu.memory_space<vmem_shared>>
    %dma_wait3A_277 = arith.constant 0 : i32
    %dma_wait3A_278 = arith.constant 0 : i32
    %dma_wait3A_279 = tpu.memref_slice %arg6[%dma_wait3A_263, %dma_wait3A_277, %dma_wait3A_278] : memref<4x16x1024xf32, #tpu.memory_space<vmem>> -> memref<1x16x1024xf32, #tpu.memory_space<vmem>>
    %dma_wait3A_280 = tpu.memref_squeeze %dma_wait3A_279 : memref<1x16x1024xf32, #tpu.memory_space<vmem>> -> memref<16x1024xf32, #tpu.memory_space<vmem>>
    tpu.wait_dma2 semaphore(%arg14 : memref<!tpu.dma_semaphore, #tpu.memory_space<semaphore_mem>>) src(%dma_wait3A_280 : memref<16x1024xf32, #tpu.memory_space<vmem>>) dst(%dma_wait3A_276 : memref<16x1024xf32, #tpu.memory_space<vmem_shared>>)
    %add3A_281 = arith.constant 32 : i32
    %add3A_282 = arith.addi %mul3A_32, %add3A_281 : i32
    %dma_start3A_283 = arith.constant 0 : i32
    %dma_start3A_284 = arith.constant 0 : i32
    %dma_start3A_285 = tpu.memref_slice %arg4[%select_n3A, %add3A_282, %dma_start3A_284] : memref<4x8192x1024xf32, #tpu.memory_space<hbm>> -> memref<1x16x1024xf32, #tpu.memory_space<hbm>>
    %dma_start3A_286 = tpu.memref_squeeze %dma_start3A_285 : memref<1x16x1024xf32, #tpu.memory_space<hbm>> -> memref<16x1024xf32, #tpu.memory_space<hbm>>
    %dma_start3A_287 = arith.constant 0 : i32
    %dma_start3A_288 = arith.constant 0 : i32
    %dma_start3A_289 = tpu.memref_slice %arg7[%arg1, %dma_start3A_283, %dma_start3A_287, %dma_start3A_288] : memref<16x2x16x1024xf32, #tpu.memory_space<vmem_shared>> -> memref<1x1x16x1024xf32, #tpu.memory_space<vmem_shared>>
    %dma_start3A_290 = tpu.memref_squeeze %dma_start3A_289 : memref<1x1x16x1024xf32, #tpu.memory_space<vmem_shared>> -> memref<16x1024xf32, #tpu.memory_space<vmem_shared>>
    tpu.enqueue_dma source(%dma_start3A_290 : memref<16x1024xf32, #tpu.memory_space<vmem_shared>>) target(%dma_start3A_286 : memref<16x1024xf32, #tpu.memory_space<hbm>>) target_semaphore(%arg16 : memref<!tpu.dma_semaphore, #tpu.memory_space<semaphore_mem>>)
    %dma_wait3A_291 = arith.constant 3 : i32
    %dma_wait3A_292 = arith.constant 0 : i32
    %dma_wait3A_293 = arith.constant 0 : i32
    %dma_wait3A_294 = tpu.memref_slice %arg6[%dma_wait3A_291, %dma_wait3A_292, %dma_wait3A_293] : memref<4x16x1024xf32, #tpu.memory_space<vmem>> -> memref<1x16x1024xf32, #tpu.memory_space<vmem>>
    %dma_wait3A_295 = tpu.memref_squeeze %dma_wait3A_294 : memref<1x16x1024xf32, #tpu.memory_space<vmem>> -> memref<16x1024xf32, #tpu.memory_space<vmem>>
    %dma_wait3A_296 = arith.constant 0 : i32
    %dma_wait3A_297 = arith.constant 0 : i32
    %dma_wait3A_298 = tpu.memref_slice %arg3[%dma_wait3A_296, %dma_wait3A_297] : memref<100000x1024xf32, #tpu.memory_space<hbm>> -> memref<16x1024xf32, #tpu.memory_space<hbm>>
    %dma_wait3A_299 = arith.constant 0 : i32
    %dma_wait3A_300 = arith.constant 0 : i32
    %dma_wait3A_301 = tpu.memref_slice %arg6[%dma_wait3A_291, %dma_wait3A_299, %dma_wait3A_300] : memref<4x16x1024xf32, #tpu.memory_space<vmem>> -> memref<1x16x1024xf32, #tpu.memory_space<vmem>>
    %dma_wait3A_302 = tpu.memref_squeeze %dma_wait3A_301 : memref<1x16x1024xf32, #tpu.memory_space<vmem>> -> memref<16x1024xf32, #tpu.memory_space<vmem>>
    %dma_wait3A_303 = arith.constant 0 : i32
    %dma_wait3A_304 = arith.constant 0 : i32
    %dma_wait3A_305 = tpu.memref_slice %arg3[%dma_wait3A_303, %dma_wait3A_304] : memref<100000x1024xf32, #tpu.memory_space<hbm>> -> memref<16x1024xf32, #tpu.memory_space<hbm>>
    tpu.wait_dma2 semaphore(%arg11 : memref<!tpu.dma_semaphore, #tpu.memory_space<semaphore_mem>>) src(%dma_wait3A_305 : memref<16x1024xf32, #tpu.memory_space<hbm>>) dst(%dma_wait3A_302 : memref<16x1024xf32, #tpu.memory_space<vmem>>)
    %dma_wait3A_306 = arith.constant 1 : i32
    %dma_wait3A_307 = arith.constant 0 : i32
    %dma_wait3A_308 = tpu.memref_slice %arg4[%select_n3A, %mul3A_32, %dma_wait3A_307] : memref<4x8192x1024xf32, #tpu.memory_space<hbm>> -> memref<1x16x1024xf32, #tpu.memory_space<hbm>>
    %dma_wait3A_309 = tpu.memref_squeeze %dma_wait3A_308 : memref<1x16x1024xf32, #tpu.memory_space<hbm>> -> memref<16x1024xf32, #tpu.memory_space<hbm>>
    %dma_wait3A_310 = arith.constant 0 : i32
    %dma_wait3A_311 = arith.constant 0 : i32
    %dma_wait3A_312 = tpu.memref_slice %arg7[%arg1, %dma_wait3A_306, %dma_wait3A_310, %dma_wait3A_311] : memref<16x2x16x1024xf32, #tpu.memory_space<vmem_shared>> -> memref<1x1x16x1024xf32, #tpu.memory_space<vmem_shared>>
    %dma_wait3A_313 = tpu.memref_squeeze %dma_wait3A_312 : memref<1x1x16x1024xf32, #tpu.memory_space<vmem_shared>> -> memref<16x1024xf32, #tpu.memory_space<vmem_shared>>
    tpu.wait_dma2 semaphore(%arg17 : memref<!tpu.dma_semaphore, #tpu.memory_space<semaphore_mem>>) src(%dma_wait3A_313 : memref<16x1024xf32, #tpu.memory_space<vmem_shared>>) dst(%dma_wait3A_309 : memref<16x1024xf32, #tpu.memory_space<hbm>>)
    %dma_start3A_314 = arith.constant 3 : i32
    %dma_start3A_315 = arith.constant 1 : i32
    %dma_start3A_316 = arith.constant 0 : i32
    %dma_start3A_317 = arith.constant 0 : i32
    %dma_start3A_318 = tpu.memref_slice %arg6[%dma_start3A_314, %dma_start3A_316, %dma_start3A_317] : memref<4x16x1024xf32, #tpu.memory_space<vmem>> -> memref<1x16x1024xf32, #tpu.memory_space<vmem>>
    %dma_start3A_319 = tpu.memref_squeeze %dma_start3A_318 : memref<1x16x1024xf32, #tpu.memory_space<vmem>> -> memref<16x1024xf32, #tpu.memory_space<vmem>>
    %dma_start3A_320 = arith.constant 0 : i32
    %dma_start3A_321 = arith.constant 0 : i32
    %dma_start3A_322 = tpu.memref_slice %arg7[%arg1, %dma_start3A_315, %dma_start3A_320, %dma_start3A_321] : memref<16x2x16x1024xf32, #tpu.memory_space<vmem_shared>> -> memref<1x1x16x1024xf32, #tpu.memory_space<vmem_shared>>
    %dma_start3A_323 = tpu.memref_squeeze %dma_start3A_322 : memref<1x1x16x1024xf32, #tpu.memory_space<vmem_shared>> -> memref<16x1024xf32, #tpu.memory_space<vmem_shared>>
    %dma_start3A_324 = arith.constant 0 : i32
    %dma_start3A_325 = arith.constant 0 : i32
    %dma_start3A_326 = tpu.memref_slice %arg7[%arg1, %dma_start3A_315, %dma_start3A_324, %dma_start3A_325] : memref<16x2x16x1024xf32, #tpu.memory_space<vmem_shared>> -> memref<1x1x16x1024xf32, #tpu.memory_space<vmem_shared>>
    %dma_start3A_327 = tpu.memref_squeeze %dma_start3A_326 : memref<1x1x16x1024xf32, #tpu.memory_space<vmem_shared>> -> memref<16x1024xf32, #tpu.memory_space<vmem_shared>>
    %dma_start3A_328 = arith.constant 0 : i32
    %dma_start3A_329 = arith.constant 0 : i32
    %dma_start3A_330 = tpu.memref_slice %arg6[%dma_start3A_314, %dma_start3A_328, %dma_start3A_329] : memref<4x16x1024xf32, #tpu.memory_space<vmem>> -> memref<1x16x1024xf32, #tpu.memory_space<vmem>>
    %dma_start3A_331 = tpu.memref_squeeze %dma_start3A_330 : memref<1x16x1024xf32, #tpu.memory_space<vmem>> -> memref<16x1024xf32, #tpu.memory_space<vmem>>
    tpu.enqueue_dma source(%dma_start3A_331 : memref<16x1024xf32, #tpu.memory_space<vmem>>) target(%dma_start3A_327 : memref<16x1024xf32, #tpu.memory_space<vmem_shared>>) target_semaphore(%arg15 : memref<!tpu.dma_semaphore, #tpu.memory_space<semaphore_mem>>)
    %min3A_332 = arith.constant 5 : i32
    %min3A_333 = arith.constant 63 : i32
    %min3A_334 = arith.minsi %min3A_332, %min3A_333 : i32
    %mul3A_335 = arith.constant 16 : i32
    %mul3A_336 = arith.muli %min3A_334, %mul3A_335 : i32
    %dma_start3A_337 = arith.constant 1 : i32
    %dma_start3A_338 = arith.constant 0 : i32
    %dma_start3A_339 = arith.constant 0 : i32
    %dma_start3A_340 = tpu.memref_slice %arg6[%dma_start3A_337, %dma_start3A_338, %dma_start3A_339] : memref<4x16x1024xf32, #tpu.memory_space<vmem>> -> memref<1x16x1024xf32, #tpu.memory_space<vmem>>
    %dma_start3A_341 = tpu.memref_squeeze %dma_start3A_340 : memref<1x16x1024xf32, #tpu.memory_space<vmem>> -> memref<16x1024xf32, #tpu.memory_space<vmem>>
    %dma_start3A_342 = tpu.memref_slice %arg5[%mul3A_336] : memref<1024xi32, #tpu.memory_space<vmem>> -> memref<16xi32, #tpu.memory_space<vmem>>
    %dma_start3A_343 = arith.constant 0 : i32
    %dma_start3A_344 = arith.constant 0 : i32
    %dma_start3A_345 = tpu.memref_slice %arg3[%dma_start3A_343, %dma_start3A_344] : memref<100000x1024xf32, #tpu.memory_space<hbm>> -> memref<100000x1024xf32, #tpu.memory_space<hbm>>
    tpu.enqueue_indirect_dma source(%dma_start3A_345 : memref<100000x1024xf32, #tpu.memory_space<hbm>>) target(%dma_start3A_341 : memref<16x1024xf32, #tpu.memory_space<vmem>>) offsets(%dma_start3A_342 : memref<16xi32, #tpu.memory_space<vmem>>) semaphore(%arg9 : memref<!tpu.dma_semaphore, #tpu.memory_space<semaphore_mem>>)
    %dma_wait3A_346 = arith.constant 3 : i32
    %dma_wait3A_347 = arith.constant 0 : i32
    %dma_wait3A_348 = arith.constant 0 : i32
    %dma_wait3A_349 = arith.constant 0 : i32
    %dma_wait3A_350 = tpu.memref_slice %arg6[%dma_wait3A_346, %dma_wait3A_348, %dma_wait3A_349] : memref<4x16x1024xf32, #tpu.memory_space<vmem>> -> memref<1x16x1024xf32, #tpu.memory_space<vmem>>
    %dma_wait3A_351 = tpu.memref_squeeze %dma_wait3A_350 : memref<1x16x1024xf32, #tpu.memory_space<vmem>> -> memref<16x1024xf32, #tpu.memory_space<vmem>>
    %dma_wait3A_352 = arith.constant 0 : i32
    %dma_wait3A_353 = arith.constant 0 : i32
    %dma_wait3A_354 = tpu.memref_slice %arg7[%arg1, %dma_wait3A_347, %dma_wait3A_352, %dma_wait3A_353] : memref<16x2x16x1024xf32, #tpu.memory_space<vmem_shared>> -> memref<1x1x16x1024xf32, #tpu.memory_space<vmem_shared>>
    %dma_wait3A_355 = tpu.memref_squeeze %dma_wait3A_354 : memref<1x1x16x1024xf32, #tpu.memory_space<vmem_shared>> -> memref<16x1024xf32, #tpu.memory_space<vmem_shared>>
    %dma_wait3A_356 = arith.constant 0 : i32
    %dma_wait3A_357 = arith.constant 0 : i32
    %dma_wait3A_358 = tpu.memref_slice %arg7[%arg1, %dma_wait3A_347, %dma_wait3A_356, %dma_wait3A_357] : memref<16x2x16x1024xf32, #tpu.memory_space<vmem_shared>> -> memref<1x1x16x1024xf32, #tpu.memory_space<vmem_shared>>
    %dma_wait3A_359 = tpu.memref_squeeze %dma_wait3A_358 : memref<1x1x16x1024xf32, #tpu.memory_space<vmem_shared>> -> memref<16x1024xf32, #tpu.memory_space<vmem_shared>>
    %dma_wait3A_360 = arith.constant 0 : i32
    %dma_wait3A_361 = arith.constant 0 : i32
    %dma_wait3A_362 = tpu.memref_slice %arg6[%dma_wait3A_346, %dma_wait3A_360, %dma_wait3A_361] : memref<4x16x1024xf32, #tpu.memory_space<vmem>> -> memref<1x16x1024xf32, #tpu.memory_space<vmem>>
    %dma_wait3A_363 = tpu.memref_squeeze %dma_wait3A_362 : memref<1x16x1024xf32, #tpu.memory_space<vmem>> -> memref<16x1024xf32, #tpu.memory_space<vmem>>
    tpu.wait_dma2 semaphore(%arg15 : memref<!tpu.dma_semaphore, #tpu.memory_space<semaphore_mem>>) src(%dma_wait3A_363 : memref<16x1024xf32, #tpu.memory_space<vmem>>) dst(%dma_wait3A_359 : memref<16x1024xf32, #tpu.memory_space<vmem_shared>>)
    %add3A_364 = arith.constant 48 : i32
    %add3A_365 = arith.addi %mul3A_32, %add3A_364 : i32
    %dma_start3A_366 = arith.constant 1 : i32
    %dma_start3A_367 = arith.constant 0 : i32
    %dma_start3A_368 = tpu.memref_slice %arg4[%select_n3A, %add3A_365, %dma_start3A_367] : memref<4x8192x1024xf32, #tpu.memory_space<hbm>> -> memref<1x16x1024xf32, #tpu.memory_space<hbm>>
    %dma_start3A_369 = tpu.memref_squeeze %dma_start3A_368 : memref<1x16x1024xf32, #tpu.memory_space<hbm>> -> memref<16x1024xf32, #tpu.memory_space<hbm>>
    %dma_start3A_370 = arith.constant 0 : i32
    %dma_start3A_371 = arith.constant 0 : i32
    %dma_start3A_372 = tpu.memref_slice %arg7[%arg1, %dma_start3A_366, %dma_start3A_370, %dma_start3A_371] : memref<16x2x16x1024xf32, #tpu.memory_space<vmem_shared>> -> memref<1x1x16x1024xf32, #tpu.memory_space<vmem_shared>>
    %dma_start3A_373 = tpu.memref_squeeze %dma_start3A_372 : memref<1x1x16x1024xf32, #tpu.memory_space<vmem_shared>> -> memref<16x1024xf32, #tpu.memory_space<vmem_shared>>
    tpu.enqueue_dma source(%dma_start3A_373 : memref<16x1024xf32, #tpu.memory_space<vmem_shared>>) target(%dma_start3A_369 : memref<16x1024xf32, #tpu.memory_space<hbm>>) target_semaphore(%arg17 : memref<!tpu.dma_semaphore, #tpu.memory_space<semaphore_mem>>)
    %scan3A = arith.constant 0 : i32
    %scan3A_374 = arith.constant 1 : i32
    %scan3A_375 = arith.constant 15 : i32
    %scan3A_376 = arith.addi %scan3A_374, %scan3A_375 : i32
    %scan3A_377 = arith.constant 1 : i32
    scf.for %scan3A_425 = %scan3A_374 to %scan3A_376 step %scan3A_377  : i32 {
      %mul3A_426 = arith.constant 4 : i32
      %mul3A_427 = arith.muli %mul3A_426, %scan3A_425 : i32
      %add3A_428 = arith.constant 0 : i32
      %add3A_429 = arith.addi %mul3A_427, %add3A_428 : i32
      %dma_wait3A_430 = arith.constant 0 : i32
      %dma_wait3A_431 = arith.constant 0 : i32
      %dma_wait3A_432 = arith.constant 0 : i32
      %dma_wait3A_433 = tpu.memref_slice %arg6[%dma_wait3A_430, %dma_wait3A_431, %dma_wait3A_432] : memref<4x16x1024xf32, #tpu.memory_space<vmem>> -> memref<1x16x1024xf32, #tpu.memory_space<vmem>>
      %dma_wait3A_434 = tpu.memref_squeeze %dma_wait3A_433 : memref<1x16x1024xf32, #tpu.memory_space<vmem>> -> memref<16x1024xf32, #tpu.memory_space<vmem>>
      %dma_wait3A_435 = arith.constant 0 : i32
      %dma_wait3A_436 = arith.constant 0 : i32
      %dma_wait3A_437 = tpu.memref_slice %arg3[%dma_wait3A_435, %dma_wait3A_436] : memref<100000x1024xf32, #tpu.memory_space<hbm>> -> memref<16x1024xf32, #tpu.memory_space<hbm>>
      %dma_wait3A_438 = arith.constant 0 : i32
      %dma_wait3A_439 = arith.constant 0 : i32
      %dma_wait3A_440 = tpu.memref_slice %arg6[%dma_wait3A_430, %dma_wait3A_438, %dma_wait3A_439] : memref<4x16x1024xf32, #tpu.memory_space<vmem>> -> memref<1x16x1024xf32, #tpu.memory_space<vmem>>
      %dma_wait3A_441 = tpu.memref_squeeze %dma_wait3A_440 : memref<1x16x1024xf32, #tpu.memory_space<vmem>> -> memref<16x1024xf32, #tpu.memory_space<vmem>>
      %dma_wait3A_442 = arith.constant 0 : i32
      %dma_wait3A_443 = arith.constant 0 : i32
      %dma_wait3A_444 = tpu.memref_slice %arg3[%dma_wait3A_442, %dma_wait3A_443] : memref<100000x1024xf32, #tpu.memory_space<hbm>> -> memref<16x1024xf32, #tpu.memory_space<hbm>>
      tpu.wait_dma2 semaphore(%arg8 : memref<!tpu.dma_semaphore, #tpu.memory_space<semaphore_mem>>) src(%dma_wait3A_444 : memref<16x1024xf32, #tpu.memory_space<hbm>>) dst(%dma_wait3A_441 : memref<16x1024xf32, #tpu.memory_space<vmem>>)
      %dma_wait3A_445 = arith.constant 0 : i32
      %dma_wait3A_446 = arith.constant 0 : i32
      %dma_wait3A_447 = tpu.memref_slice %arg4[%select_n3A, %mul3A_32, %dma_wait3A_446] : memref<4x8192x1024xf32, #tpu.memory_space<hbm>> -> memref<1x16x1024xf32, #tpu.memory_space<hbm>>
      %dma_wait3A_448 = tpu.memref_squeeze %dma_wait3A_447 : memref<1x16x1024xf32, #tpu.memory_space<hbm>> -> memref<16x1024xf32, #tpu.memory_space<hbm>>
      %dma_wait3A_449 = arith.constant 0 : i32
      %dma_wait3A_450 = arith.constant 0 : i32
      %dma_wait3A_451 = tpu.memref_slice %arg7[%arg1, %dma_wait3A_445, %dma_wait3A_449, %dma_wait3A_450] : memref<16x2x16x1024xf32, #tpu.memory_space<vmem_shared>> -> memref<1x1x16x1024xf32, #tpu.memory_space<vmem_shared>>
      %dma_wait3A_452 = tpu.memref_squeeze %dma_wait3A_451 : memref<1x1x16x1024xf32, #tpu.memory_space<vmem_shared>> -> memref<16x1024xf32, #tpu.memory_space<vmem_shared>>
      tpu.wait_dma2 semaphore(%arg16 : memref<!tpu.dma_semaphore, #tpu.memory_space<semaphore_mem>>) src(%dma_wait3A_452 : memref<16x1024xf32, #tpu.memory_space<vmem_shared>>) dst(%dma_wait3A_448 : memref<16x1024xf32, #tpu.memory_space<hbm>>)
      %dma_start3A_453 = arith.constant 0 : i32
      %dma_start3A_454 = arith.constant 0 : i32
      %dma_start3A_455 = arith.constant 0 : i32
      %dma_start3A_456 = arith.constant 0 : i32
      %dma_start3A_457 = tpu.memref_slice %arg6[%dma_start3A_453, %dma_start3A_455, %dma_start3A_456] : memref<4x16x1024xf32, #tpu.memory_space<vmem>> -> memref<1x16x1024xf32, #tpu.memory_space<vmem>>
      %dma_start3A_458 = tpu.memref_squeeze %dma_start3A_457 : memref<1x16x1024xf32, #tpu.memory_space<vmem>> -> memref<16x1024xf32, #tpu.memory_space<vmem>>
      %dma_start3A_459 = arith.constant 0 : i32
      %dma_start3A_460 = arith.constant 0 : i32
      %dma_start3A_461 = tpu.memref_slice %arg7[%arg1, %dma_start3A_454, %dma_start3A_459, %dma_start3A_460] : memref<16x2x16x1024xf32, #tpu.memory_space<vmem_shared>> -> memref<1x1x16x1024xf32, #tpu.memory_space<vmem_shared>>
      %dma_start3A_462 = tpu.memref_squeeze %dma_start3A_461 : memref<1x1x16x1024xf32, #tpu.memory_space<vmem_shared>> -> memref<16x1024xf32, #tpu.memory_space<vmem_shared>>
      %dma_start3A_463 = arith.constant 0 : i32
      %dma_start3A_464 = arith.constant 0 : i32
      %dma_start3A_465 = tpu.memref_slice %arg7[%arg1, %dma_start3A_454, %dma_start3A_463, %dma_start3A_464] : memref<16x2x16x1024xf32, #tpu.memory_space<vmem_shared>> -> memref<1x1x16x1024xf32, #tpu.memory_space<vmem_shared>>
      %dma_start3A_466 = tpu.memref_squeeze %dma_start3A_465 : memref<1x1x16x1024xf32, #tpu.memory_space<vmem_shared>> -> memref<16x1024xf32, #tpu.memory_space<vmem_shared>>
      %dma_start3A_467 = arith.constant 0 : i32
      %dma_start3A_468 = arith.constant 0 : i32
      %dma_start3A_469 = tpu.memref_slice %arg6[%dma_start3A_453, %dma_start3A_467, %dma_start3A_468] : memref<4x16x1024xf32, #tpu.memory_space<vmem>> -> memref<1x16x1024xf32, #tpu.memory_space<vmem>>
      %dma_start3A_470 = tpu.memref_squeeze %dma_start3A_469 : memref<1x16x1024xf32, #tpu.memory_space<vmem>> -> memref<16x1024xf32, #tpu.memory_space<vmem>>
      tpu.enqueue_dma source(%dma_start3A_470 : memref<16x1024xf32, #tpu.memory_space<vmem>>) target(%dma_start3A_466 : memref<16x1024xf32, #tpu.memory_space<vmem_shared>>) target_semaphore(%arg12 : memref<!tpu.dma_semaphore, #tpu.memory_space<semaphore_mem>>)
      %add3A_471 = arith.constant 2 : i32
      %add3A_472 = arith.addi %add3A_429, %add3A_471 : i32
      %min3A_473 = arith.constant 63 : i32
      %min3A_474 = arith.minsi %add3A_472, %min3A_473 : i32
      %mul3A_475 = arith.constant 16 : i32
      %mul3A_476 = arith.muli %min3A_474, %mul3A_475 : i32
      %dma_start3A_477 = arith.constant 2 : i32
      %dma_start3A_478 = arith.constant 0 : i32
      %dma_start3A_479 = arith.constant 0 : i32
      %dma_start3A_480 = tpu.memref_slice %arg6[%dma_start3A_477, %dma_start3A_478, %dma_start3A_479] : memref<4x16x1024xf32, #tpu.memory_space<vmem>> -> memref<1x16x1024xf32, #tpu.memory_space<vmem>>
      %dma_start3A_481 = tpu.memref_squeeze %dma_start3A_480 : memref<1x16x1024xf32, #tpu.memory_space<vmem>> -> memref<16x1024xf32, #tpu.memory_space<vmem>>
      %dma_start3A_482 = tpu.memref_slice %arg5[%mul3A_476] : memref<1024xi32, #tpu.memory_space<vmem>> -> memref<16xi32, #tpu.memory_space<vmem>>
      %dma_start3A_483 = arith.constant 0 : i32
      %dma_start3A_484 = arith.constant 0 : i32
      %dma_start3A_485 = tpu.memref_slice %arg3[%dma_start3A_483, %dma_start3A_484] : memref<100000x1024xf32, #tpu.memory_space<hbm>> -> memref<100000x1024xf32, #tpu.memory_space<hbm>>
      tpu.enqueue_indirect_dma source(%dma_start3A_485 : memref<100000x1024xf32, #tpu.memory_space<hbm>>) target(%dma_start3A_481 : memref<16x1024xf32, #tpu.memory_space<vmem>>) offsets(%dma_start3A_482 : memref<16xi32, #tpu.memory_space<vmem>>) semaphore(%arg10 : memref<!tpu.dma_semaphore, #tpu.memory_space<semaphore_mem>>)
      %dma_wait3A_486 = arith.constant 0 : i32
      %dma_wait3A_487 = arith.constant 0 : i32
      %dma_wait3A_488 = arith.constant 0 : i32
      %dma_wait3A_489 = arith.constant 0 : i32
      %dma_wait3A_490 = tpu.memref_slice %arg6[%dma_wait3A_486, %dma_wait3A_488, %dma_wait3A_489] : memref<4x16x1024xf32, #tpu.memory_space<vmem>> -> memref<1x16x1024xf32, #tpu.memory_space<vmem>>
      %dma_wait3A_491 = tpu.memref_squeeze %dma_wait3A_490 : memref<1x16x1024xf32, #tpu.memory_space<vmem>> -> memref<16x1024xf32, #tpu.memory_space<vmem>>
      %dma_wait3A_492 = arith.constant 0 : i32
      %dma_wait3A_493 = arith.constant 0 : i32
      %dma_wait3A_494 = tpu.memref_slice %arg7[%arg1, %dma_wait3A_487, %dma_wait3A_492, %dma_wait3A_493] : memref<16x2x16x1024xf32, #tpu.memory_space<vmem_shared>> -> memref<1x1x16x1024xf32, #tpu.memory_space<vmem_shared>>
      %dma_wait3A_495 = tpu.memref_squeeze %dma_wait3A_494 : memref<1x1x16x1024xf32, #tpu.memory_space<vmem_shared>> -> memref<16x1024xf32, #tpu.memory_space<vmem_shared>>
      %dma_wait3A_496 = arith.constant 0 : i32
      %dma_wait3A_497 = arith.constant 0 : i32
      %dma_wait3A_498 = tpu.memref_slice %arg7[%arg1, %dma_wait3A_487, %dma_wait3A_496, %dma_wait3A_497] : memref<16x2x16x1024xf32, #tpu.memory_space<vmem_shared>> -> memref<1x1x16x1024xf32, #tpu.memory_space<vmem_shared>>
      %dma_wait3A_499 = tpu.memref_squeeze %dma_wait3A_498 : memref<1x1x16x1024xf32, #tpu.memory_space<vmem_shared>> -> memref<16x1024xf32, #tpu.memory_space<vmem_shared>>
      %dma_wait3A_500 = arith.constant 0 : i32
      %dma_wait3A_501 = arith.constant 0 : i32
      %dma_wait3A_502 = tpu.memref_slice %arg6[%dma_wait3A_486, %dma_wait3A_500, %dma_wait3A_501] : memref<4x16x1024xf32, #tpu.memory_space<vmem>> -> memref<1x16x1024xf32, #tpu.memory_space<vmem>>
      %dma_wait3A_503 = tpu.memref_squeeze %dma_wait3A_502 : memref<1x16x1024xf32, #tpu.memory_space<vmem>> -> memref<16x1024xf32, #tpu.memory_space<vmem>>
      tpu.wait_dma2 semaphore(%arg12 : memref<!tpu.dma_semaphore, #tpu.memory_space<semaphore_mem>>) src(%dma_wait3A_503 : memref<16x1024xf32, #tpu.memory_space<vmem>>) dst(%dma_wait3A_499 : memref<16x1024xf32, #tpu.memory_space<vmem_shared>>)
      %mul3A_504 = arith.constant 16 : i32
      %mul3A_505 = arith.muli %add3A_429, %mul3A_504 : i32
      %add3A_506 = arith.addi %mul3A_32, %mul3A_505 : i32
      %dma_start3A_507 = arith.constant 0 : i32
      %dma_start3A_508 = arith.constant 0 : i32
      %dma_start3A_509 = tpu.memref_slice %arg4[%select_n3A, %add3A_506, %dma_start3A_508] : memref<4x8192x1024xf32, #tpu.memory_space<hbm>> -> memref<1x16x1024xf32, #tpu.memory_space<hbm>>
      %dma_start3A_510 = tpu.memref_squeeze %dma_start3A_509 : memref<1x16x1024xf32, #tpu.memory_space<hbm>> -> memref<16x1024xf32, #tpu.memory_space<hbm>>
      %dma_start3A_511 = arith.constant 0 : i32
      %dma_start3A_512 = arith.constant 0 : i32
      %dma_start3A_513 = tpu.memref_slice %arg7[%arg1, %dma_start3A_507, %dma_start3A_511, %dma_start3A_512] : memref<16x2x16x1024xf32, #tpu.memory_space<vmem_shared>> -> memref<1x1x16x1024xf32, #tpu.memory_space<vmem_shared>>
      %dma_start3A_514 = tpu.memref_squeeze %dma_start3A_513 : memref<1x1x16x1024xf32, #tpu.memory_space<vmem_shared>> -> memref<16x1024xf32, #tpu.memory_space<vmem_shared>>
      tpu.enqueue_dma source(%dma_start3A_514 : memref<16x1024xf32, #tpu.memory_space<vmem_shared>>) target(%dma_start3A_510 : memref<16x1024xf32, #tpu.memory_space<hbm>>) target_semaphore(%arg16 : memref<!tpu.dma_semaphore, #tpu.memory_space<semaphore_mem>>)
      %mul3A_515 = arith.constant 4 : i32
      %mul3A_516 = arith.muli %mul3A_515, %scan3A_425 : i32
      %add3A_517 = arith.constant 1 : i32
      %add3A_518 = arith.addi %mul3A_516, %add3A_517 : i32
      %dma_wait3A_519 = arith.constant 1 : i32
      %dma_wait3A_520 = arith.constant 0 : i32
      %dma_wait3A_521 = arith.constant 0 : i32
      %dma_wait3A_522 = tpu.memref_slice %arg6[%dma_wait3A_519, %dma_wait3A_520, %dma_wait3A_521] : memref<4x16x1024xf32, #tpu.memory_space<vmem>> -> memref<1x16x1024xf32, #tpu.memory_space<vmem>>
      %dma_wait3A_523 = tpu.memref_squeeze %dma_wait3A_522 : memref<1x16x1024xf32, #tpu.memory_space<vmem>> -> memref<16x1024xf32, #tpu.memory_space<vmem>>
      %dma_wait3A_524 = arith.constant 0 : i32
      %dma_wait3A_525 = arith.constant 0 : i32
      %dma_wait3A_526 = tpu.memref_slice %arg3[%dma_wait3A_524, %dma_wait3A_525] : memref<100000x1024xf32, #tpu.memory_space<hbm>> -> memref<16x1024xf32, #tpu.memory_space<hbm>>
      %dma_wait3A_527 = arith.constant 0 : i32
      %dma_wait3A_528 = arith.constant 0 : i32
      %dma_wait3A_529 = tpu.memref_slice %arg6[%dma_wait3A_519, %dma_wait3A_527, %dma_wait3A_528] : memref<4x16x1024xf32, #tpu.memory_space<vmem>> -> memref<1x16x1024xf32, #tpu.memory_space<vmem>>
      %dma_wait3A_530 = tpu.memref_squeeze %dma_wait3A_529 : memref<1x16x1024xf32, #tpu.memory_space<vmem>> -> memref<16x1024xf32, #tpu.memory_space<vmem>>
      %dma_wait3A_531 = arith.constant 0 : i32
      %dma_wait3A_532 = arith.constant 0 : i32
      %dma_wait3A_533 = tpu.memref_slice %arg3[%dma_wait3A_531, %dma_wait3A_532] : memref<100000x1024xf32, #tpu.memory_space<hbm>> -> memref<16x1024xf32, #tpu.memory_space<hbm>>
      tpu.wait_dma2 semaphore(%arg9 : memref<!tpu.dma_semaphore, #tpu.memory_space<semaphore_mem>>) src(%dma_wait3A_533 : memref<16x1024xf32, #tpu.memory_space<hbm>>) dst(%dma_wait3A_530 : memref<16x1024xf32, #tpu.memory_space<vmem>>)
      %dma_wait3A_534 = arith.constant 1 : i32
      %dma_wait3A_535 = arith.constant 0 : i32
      %dma_wait3A_536 = tpu.memref_slice %arg4[%select_n3A, %mul3A_32, %dma_wait3A_535] : memref<4x8192x1024xf32, #tpu.memory_space<hbm>> -> memref<1x16x1024xf32, #tpu.memory_space<hbm>>
      %dma_wait3A_537 = tpu.memref_squeeze %dma_wait3A_536 : memref<1x16x1024xf32, #tpu.memory_space<hbm>> -> memref<16x1024xf32, #tpu.memory_space<hbm>>
      %dma_wait3A_538 = arith.constant 0 : i32
      %dma_wait3A_539 = arith.constant 0 : i32
      %dma_wait3A_540 = tpu.memref_slice %arg7[%arg1, %dma_wait3A_534, %dma_wait3A_538, %dma_wait3A_539] : memref<16x2x16x1024xf32, #tpu.memory_space<vmem_shared>> -> memref<1x1x16x1024xf32, #tpu.memory_space<vmem_shared>>
      %dma_wait3A_541 = tpu.memref_squeeze %dma_wait3A_540 : memref<1x1x16x1024xf32, #tpu.memory_space<vmem_shared>> -> memref<16x1024xf32, #tpu.memory_space<vmem_shared>>
      tpu.wait_dma2 semaphore(%arg17 : memref<!tpu.dma_semaphore, #tpu.memory_space<semaphore_mem>>) src(%dma_wait3A_541 : memref<16x1024xf32, #tpu.memory_space<vmem_shared>>) dst(%dma_wait3A_537 : memref<16x1024xf32, #tpu.memory_space<hbm>>)
      %dma_start3A_542 = arith.constant 1 : i32
      %dma_start3A_543 = arith.constant 1 : i32
      %dma_start3A_544 = arith.constant 0 : i32
      %dma_start3A_545 = arith.constant 0 : i32
      %dma_start3A_546 = tpu.memref_slice %arg6[%dma_start3A_542, %dma_start3A_544, %dma_start3A_545] : memref<4x16x1024xf32, #tpu.memory_space<vmem>> -> memref<1x16x1024xf32, #tpu.memory_space<vmem>>
      %dma_start3A_547 = tpu.memref_squeeze %dma_start3A_546 : memref<1x16x1024xf32, #tpu.memory_space<vmem>> -> memref<16x1024xf32, #tpu.memory_space<vmem>>
      %dma_start3A_548 = arith.constant 0 : i32
      %dma_start3A_549 = arith.constant 0 : i32
      %dma_start3A_550 = tpu.memref_slice %arg7[%arg1, %dma_start3A_543, %dma_start3A_548, %dma_start3A_549] : memref<16x2x16x1024xf32, #tpu.memory_space<vmem_shared>> -> memref<1x1x16x1024xf32, #tpu.memory_space<vmem_shared>>
      %dma_start3A_551 = tpu.memref_squeeze %dma_start3A_550 : memref<1x1x16x1024xf32, #tpu.memory_space<vmem_shared>> -> memref<16x1024xf32, #tpu.memory_space<vmem_shared>>
      %dma_start3A_552 = arith.constant 0 : i32
      %dma_start3A_553 = arith.constant 0 : i32
      %dma_start3A_554 = tpu.memref_slice %arg7[%arg1, %dma_start3A_543, %dma_start3A_552, %dma_start3A_553] : memref<16x2x16x1024xf32, #tpu.memory_space<vmem_shared>> -> memref<1x1x16x1024xf32, #tpu.memory_space<vmem_shared>>
      %dma_start3A_555 = tpu.memref_squeeze %dma_start3A_554 : memref<1x1x16x1024xf32, #tpu.memory_space<vmem_shared>> -> memref<16x1024xf32, #tpu.memory_space<vmem_shared>>
      %dma_start3A_556 = arith.constant 0 : i32
      %dma_start3A_557 = arith.constant 0 : i32
      %dma_start3A_558 = tpu.memref_slice %arg6[%dma_start3A_542, %dma_start3A_556, %dma_start3A_557] : memref<4x16x1024xf32, #tpu.memory_space<vmem>> -> memref<1x16x1024xf32, #tpu.memory_space<vmem>>
      %dma_start3A_559 = tpu.memref_squeeze %dma_start3A_558 : memref<1x16x1024xf32, #tpu.memory_space<vmem>> -> memref<16x1024xf32, #tpu.memory_space<vmem>>
      tpu.enqueue_dma source(%dma_start3A_559 : memref<16x1024xf32, #tpu.memory_space<vmem>>) target(%dma_start3A_555 : memref<16x1024xf32, #tpu.memory_space<vmem_shared>>) target_semaphore(%arg13 : memref<!tpu.dma_semaphore, #tpu.memory_space<semaphore_mem>>)
      %add3A_560 = arith.constant 2 : i32
      %add3A_561 = arith.addi %add3A_518, %add3A_560 : i32
      %min3A_562 = arith.constant 63 : i32
      %min3A_563 = arith.minsi %add3A_561, %min3A_562 : i32
      %mul3A_564 = arith.constant 16 : i32
      %mul3A_565 = arith.muli %min3A_563, %mul3A_564 : i32
      %dma_start3A_566 = arith.constant 3 : i32
      %dma_start3A_567 = arith.constant 0 : i32
      %dma_start3A_568 = arith.constant 0 : i32
      %dma_start3A_569 = tpu.memref_slice %arg6[%dma_start3A_566, %dma_start3A_567, %dma_start3A_568] : memref<4x16x1024xf32, #tpu.memory_space<vmem>> -> memref<1x16x1024xf32, #tpu.memory_space<vmem>>
      %dma_start3A_570 = tpu.memref_squeeze %dma_start3A_569 : memref<1x16x1024xf32, #tpu.memory_space<vmem>> -> memref<16x1024xf32, #tpu.memory_space<vmem>>
      %dma_start3A_571 = tpu.memref_slice %arg5[%mul3A_565] : memref<1024xi32, #tpu.memory_space<vmem>> -> memref<16xi32, #tpu.memory_space<vmem>>
      %dma_start3A_572 = arith.constant 0 : i32
      %dma_start3A_573 = arith.constant 0 : i32
      %dma_start3A_574 = tpu.memref_slice %arg3[%dma_start3A_572, %dma_start3A_573] : memref<100000x1024xf32, #tpu.memory_space<hbm>> -> memref<100000x1024xf32, #tpu.memory_space<hbm>>
      tpu.enqueue_indirect_dma source(%dma_start3A_574 : memref<100000x1024xf32, #tpu.memory_space<hbm>>) target(%dma_start3A_570 : memref<16x1024xf32, #tpu.memory_space<vmem>>) offsets(%dma_start3A_571 : memref<16xi32, #tpu.memory_space<vmem>>) semaphore(%arg11 : memref<!tpu.dma_semaphore, #tpu.memory_space<semaphore_mem>>)
      %dma_wait3A_575 = arith.constant 1 : i32
      %dma_wait3A_576 = arith.constant 0 : i32
      %dma_wait3A_577 = arith.constant 0 : i32
      %dma_wait3A_578 = arith.constant 0 : i32
      %dma_wait3A_579 = tpu.memref_slice %arg6[%dma_wait3A_575, %dma_wait3A_577, %dma_wait3A_578] : memref<4x16x1024xf32, #tpu.memory_space<vmem>> -> memref<1x16x1024xf32, #tpu.memory_space<vmem>>
      %dma_wait3A_580 = tpu.memref_squeeze %dma_wait3A_579 : memref<1x16x1024xf32, #tpu.memory_space<vmem>> -> memref<16x1024xf32, #tpu.memory_space<vmem>>
      %dma_wait3A_581 = arith.constant 0 : i32
      %dma_wait3A_582 = arith.constant 0 : i32
      %dma_wait3A_583 = tpu.memref_slice %arg7[%arg1, %dma_wait3A_576, %dma_wait3A_581, %dma_wait3A_582] : memref<16x2x16x1024xf32, #tpu.memory_space<vmem_shared>> -> memref<1x1x16x1024xf32, #tpu.memory_space<vmem_shared>>
      %dma_wait3A_584 = tpu.memref_squeeze %dma_wait3A_583 : memref<1x1x16x1024xf32, #tpu.memory_space<vmem_shared>> -> memref<16x1024xf32, #tpu.memory_space<vmem_shared>>
      %dma_wait3A_585 = arith.constant 0 : i32
      %dma_wait3A_586 = arith.constant 0 : i32
      %dma_wait3A_587 = tpu.memref_slice %arg7[%arg1, %dma_wait3A_576, %dma_wait3A_585, %dma_wait3A_586] : memref<16x2x16x1024xf32, #tpu.memory_space<vmem_shared>> -> memref<1x1x16x1024xf32, #tpu.memory_space<vmem_shared>>
      %dma_wait3A_588 = tpu.memref_squeeze %dma_wait3A_587 : memref<1x1x16x1024xf32, #tpu.memory_space<vmem_shared>> -> memref<16x1024xf32, #tpu.memory_space<vmem_shared>>
      %dma_wait3A_589 = arith.constant 0 : i32
      %dma_wait3A_590 = arith.constant 0 : i32
      %dma_wait3A_591 = tpu.memref_slice %arg6[%dma_wait3A_575, %dma_wait3A_589, %dma_wait3A_590] : memref<4x16x1024xf32, #tpu.memory_space<vmem>> -> memref<1x16x1024xf32, #tpu.memory_space<vmem>>
      %dma_wait3A_592 = tpu.memref_squeeze %dma_wait3A_591 : memref<1x16x1024xf32, #tpu.memory_space<vmem>> -> memref<16x1024xf32, #tpu.memory_space<vmem>>
      tpu.wait_dma2 semaphore(%arg13 : memref<!tpu.dma_semaphore, #tpu.memory_space<semaphore_mem>>) src(%dma_wait3A_592 : memref<16x1024xf32, #tpu.memory_space<vmem>>) dst(%dma_wait3A_588 : memref<16x1024xf32, #tpu.memory_space<vmem_shared>>)
      %mul3A_593 = arith.constant 16 : i32
      %mul3A_594 = arith.muli %add3A_518, %mul3A_593 : i32
      %add3A_595 = arith.addi %mul3A_32, %mul3A_594 : i32
      %dma_start3A_596 = arith.constant 1 : i32
      %dma_start3A_597 = arith.constant 0 : i32
      %dma_start3A_598 = tpu.memref_slice %arg4[%select_n3A, %add3A_595, %dma_start3A_597] : memref<4x8192x1024xf32, #tpu.memory_space<hbm>> -> memref<1x16x1024xf32, #tpu.memory_space<hbm>>
      %dma_start3A_599 = tpu.memref_squeeze %dma_start3A_598 : memref<1x16x1024xf32, #tpu.memory_space<hbm>> -> memref<16x1024xf32, #tpu.memory_space<hbm>>
      %dma_start3A_600 = arith.constant 0 : i32
      %dma_start3A_601 = arith.constant 0 : i32
      %dma_start3A_602 = tpu.memref_slice %arg7[%arg1, %dma_start3A_596, %dma_start3A_600, %dma_start3A_601] : memref<16x2x16x1024xf32, #tpu.memory_space<vmem_shared>> -> memref<1x1x16x1024xf32, #tpu.memory_space<vmem_shared>>
      %dma_start3A_603 = tpu.memref_squeeze %dma_start3A_602 : memref<1x1x16x1024xf32, #tpu.memory_space<vmem_shared>> -> memref<16x1024xf32, #tpu.memory_space<vmem_shared>>
      tpu.enqueue_dma source(%dma_start3A_603 : memref<16x1024xf32, #tpu.memory_space<vmem_shared>>) target(%dma_start3A_599 : memref<16x1024xf32, #tpu.memory_space<hbm>>) target_semaphore(%arg17 : memref<!tpu.dma_semaphore, #tpu.memory_space<semaphore_mem>>)
      %mul3A_604 = arith.constant 4 : i32
      %mul3A_605 = arith.muli %mul3A_604, %scan3A_425 : i32
      %add3A_606 = arith.constant 2 : i32
      %add3A_607 = arith.addi %mul3A_605, %add3A_606 : i32
      %dma_wait3A_608 = arith.constant 2 : i32
      %dma_wait3A_609 = arith.constant 0 : i32
      %dma_wait3A_610 = arith.constant 0 : i32
      %dma_wait3A_611 = tpu.memref_slice %arg6[%dma_wait3A_608, %dma_wait3A_609, %dma_wait3A_610] : memref<4x16x1024xf32, #tpu.memory_space<vmem>> -> memref<1x16x1024xf32, #tpu.memory_space<vmem>>
      %dma_wait3A_612 = tpu.memref_squeeze %dma_wait3A_611 : memref<1x16x1024xf32, #tpu.memory_space<vmem>> -> memref<16x1024xf32, #tpu.memory_space<vmem>>
      %dma_wait3A_613 = arith.constant 0 : i32
      %dma_wait3A_614 = arith.constant 0 : i32
      %dma_wait3A_615 = tpu.memref_slice %arg3[%dma_wait3A_613, %dma_wait3A_614] : memref<100000x1024xf32, #tpu.memory_space<hbm>> -> memref<16x1024xf32, #tpu.memory_space<hbm>>
      %dma_wait3A_616 = arith.constant 0 : i32
      %dma_wait3A_617 = arith.constant 0 : i32
      %dma_wait3A_618 = tpu.memref_slice %arg6[%dma_wait3A_608, %dma_wait3A_616, %dma_wait3A_617] : memref<4x16x1024xf32, #tpu.memory_space<vmem>> -> memref<1x16x1024xf32, #tpu.memory_space<vmem>>
      %dma_wait3A_619 = tpu.memref_squeeze %dma_wait3A_618 : memref<1x16x1024xf32, #tpu.memory_space<vmem>> -> memref<16x1024xf32, #tpu.memory_space<vmem>>
      %dma_wait3A_620 = arith.constant 0 : i32
      %dma_wait3A_621 = arith.constant 0 : i32
      %dma_wait3A_622 = tpu.memref_slice %arg3[%dma_wait3A_620, %dma_wait3A_621] : memref<100000x1024xf32, #tpu.memory_space<hbm>> -> memref<16x1024xf32, #tpu.memory_space<hbm>>
      tpu.wait_dma2 semaphore(%arg10 : memref<!tpu.dma_semaphore, #tpu.memory_space<semaphore_mem>>) src(%dma_wait3A_622 : memref<16x1024xf32, #tpu.memory_space<hbm>>) dst(%dma_wait3A_619 : memref<16x1024xf32, #tpu.memory_space<vmem>>)
      %dma_wait3A_623 = arith.constant 0 : i32
      %dma_wait3A_624 = arith.constant 0 : i32
      %dma_wait3A_625 = tpu.memref_slice %arg4[%select_n3A, %mul3A_32, %dma_wait3A_624] : memref<4x8192x1024xf32, #tpu.memory_space<hbm>> -> memref<1x16x1024xf32, #tpu.memory_space<hbm>>
      %dma_wait3A_626 = tpu.memref_squeeze %dma_wait3A_625 : memref<1x16x1024xf32, #tpu.memory_space<hbm>> -> memref<16x1024xf32, #tpu.memory_space<hbm>>
      %dma_wait3A_627 = arith.constant 0 : i32
      %dma_wait3A_628 = arith.constant 0 : i32
      %dma_wait3A_629 = tpu.memref_slice %arg7[%arg1, %dma_wait3A_623, %dma_wait3A_627, %dma_wait3A_628] : memref<16x2x16x1024xf32, #tpu.memory_space<vmem_shared>> -> memref<1x1x16x1024xf32, #tpu.memory_space<vmem_shared>>
      %dma_wait3A_630 = tpu.memref_squeeze %dma_wait3A_629 : memref<1x1x16x1024xf32, #tpu.memory_space<vmem_shared>> -> memref<16x1024xf32, #tpu.memory_space<vmem_shared>>
      tpu.wait_dma2 semaphore(%arg16 : memref<!tpu.dma_semaphore, #tpu.memory_space<semaphore_mem>>) src(%dma_wait3A_630 : memref<16x1024xf32, #tpu.memory_space<vmem_shared>>) dst(%dma_wait3A_626 : memref<16x1024xf32, #tpu.memory_space<hbm>>)
      %dma_start3A_631 = arith.constant 2 : i32
      %dma_start3A_632 = arith.constant 0 : i32
      %dma_start3A_633 = arith.constant 0 : i32
      %dma_start3A_634 = arith.constant 0 : i32
      %dma_start3A_635 = tpu.memref_slice %arg6[%dma_start3A_631, %dma_start3A_633, %dma_start3A_634] : memref<4x16x1024xf32, #tpu.memory_space<vmem>> -> memref<1x16x1024xf32, #tpu.memory_space<vmem>>
      %dma_start3A_636 = tpu.memref_squeeze %dma_start3A_635 : memref<1x16x1024xf32, #tpu.memory_space<vmem>> -> memref<16x1024xf32, #tpu.memory_space<vmem>>
      %dma_start3A_637 = arith.constant 0 : i32
      %dma_start3A_638 = arith.constant 0 : i32
      %dma_start3A_639 = tpu.memref_slice %arg7[%arg1, %dma_start3A_632, %dma_start3A_637, %dma_start3A_638] : memref<16x2x16x1024xf32, #tpu.memory_space<vmem_shared>> -> memref<1x1x16x1024xf32, #tpu.memory_space<vmem_shared>>
      %dma_start3A_640 = tpu.memref_squeeze %dma_start3A_639 : memref<1x1x16x1024xf32, #tpu.memory_space<vmem_shared>> -> memref<16x1024xf32, #tpu.memory_space<vmem_shared>>
      %dma_start3A_641 = arith.constant 0 : i32
      %dma_start3A_642 = arith.constant 0 : i32
      %dma_start3A_643 = tpu.memref_slice %arg7[%arg1, %dma_start3A_632, %dma_start3A_641, %dma_start3A_642] : memref<16x2x16x1024xf32, #tpu.memory_space<vmem_shared>> -> memref<1x1x16x1024xf32, #tpu.memory_space<vmem_shared>>
      %dma_start3A_644 = tpu.memref_squeeze %dma_start3A_643 : memref<1x1x16x1024xf32, #tpu.memory_space<vmem_shared>> -> memref<16x1024xf32, #tpu.memory_space<vmem_shared>>
      %dma_start3A_645 = arith.constant 0 : i32
      %dma_start3A_646 = arith.constant 0 : i32
      %dma_start3A_647 = tpu.memref_slice %arg6[%dma_start3A_631, %dma_start3A_645, %dma_start3A_646] : memref<4x16x1024xf32, #tpu.memory_space<vmem>> -> memref<1x16x1024xf32, #tpu.memory_space<vmem>>
      %dma_start3A_648 = tpu.memref_squeeze %dma_start3A_647 : memref<1x16x1024xf32, #tpu.memory_space<vmem>> -> memref<16x1024xf32, #tpu.memory_space<vmem>>
      tpu.enqueue_dma source(%dma_start3A_648 : memref<16x1024xf32, #tpu.memory_space<vmem>>) target(%dma_start3A_644 : memref<16x1024xf32, #tpu.memory_space<vmem_shared>>) target_semaphore(%arg14 : memref<!tpu.dma_semaphore, #tpu.memory_space<semaphore_mem>>)
      %add3A_649 = arith.constant 2 : i32
      %add3A_650 = arith.addi %add3A_607, %add3A_649 : i32
      %min3A_651 = arith.constant 63 : i32
      %min3A_652 = arith.minsi %add3A_650, %min3A_651 : i32
      %mul3A_653 = arith.constant 16 : i32
      %mul3A_654 = arith.muli %min3A_652, %mul3A_653 : i32
      %dma_start3A_655 = arith.constant 0 : i32
      %dma_start3A_656 = arith.constant 0 : i32
      %dma_start3A_657 = arith.constant 0 : i32
      %dma_start3A_658 = tpu.memref_slice %arg6[%dma_start3A_655, %dma_start3A_656, %dma_start3A_657] : memref<4x16x1024xf32, #tpu.memory_space<vmem>> -> memref<1x16x1024xf32, #tpu.memory_space<vmem>>
      %dma_start3A_659 = tpu.memref_squeeze %dma_start3A_658 : memref<1x16x1024xf32, #tpu.memory_space<vmem>> -> memref<16x1024xf32, #tpu.memory_space<vmem>>
      %dma_start3A_660 = tpu.memref_slice %arg5[%mul3A_654] : memref<1024xi32, #tpu.memory_space<vmem>> -> memref<16xi32, #tpu.memory_space<vmem>>
      %dma_start3A_661 = arith.constant 0 : i32
      %dma_start3A_662 = arith.constant 0 : i32
      %dma_start3A_663 = tpu.memref_slice %arg3[%dma_start3A_661, %dma_start3A_662] : memref<100000x1024xf32, #tpu.memory_space<hbm>> -> memref<100000x1024xf32, #tpu.memory_space<hbm>>
      tpu.enqueue_indirect_dma source(%dma_start3A_663 : memref<100000x1024xf32, #tpu.memory_space<hbm>>) target(%dma_start3A_659 : memref<16x1024xf32, #tpu.memory_space<vmem>>) offsets(%dma_start3A_660 : memref<16xi32, #tpu.memory_space<vmem>>) semaphore(%arg8 : memref<!tpu.dma_semaphore, #tpu.memory_space<semaphore_mem>>)
      %dma_wait3A_664 = arith.constant 2 : i32
      %dma_wait3A_665 = arith.constant 0 : i32
      %dma_wait3A_666 = arith.constant 0 : i32
      %dma_wait3A_667 = arith.constant 0 : i32
      %dma_wait3A_668 = tpu.memref_slice %arg6[%dma_wait3A_664, %dma_wait3A_666, %dma_wait3A_667] : memref<4x16x1024xf32, #tpu.memory_space<vmem>> -> memref<1x16x1024xf32, #tpu.memory_space<vmem>>
      %dma_wait3A_669 = tpu.memref_squeeze %dma_wait3A_668 : memref<1x16x1024xf32, #tpu.memory_space<vmem>> -> memref<16x1024xf32, #tpu.memory_space<vmem>>
      %dma_wait3A_670 = arith.constant 0 : i32
      %dma_wait3A_671 = arith.constant 0 : i32
      %dma_wait3A_672 = tpu.memref_slice %arg7[%arg1, %dma_wait3A_665, %dma_wait3A_670, %dma_wait3A_671] : memref<16x2x16x1024xf32, #tpu.memory_space<vmem_shared>> -> memref<1x1x16x1024xf32, #tpu.memory_space<vmem_shared>>
      %dma_wait3A_673 = tpu.memref_squeeze %dma_wait3A_672 : memref<1x1x16x1024xf32, #tpu.memory_space<vmem_shared>> -> memref<16x1024xf32, #tpu.memory_space<vmem_shared>>
      %dma_wait3A_674 = arith.constant 0 : i32
      %dma_wait3A_675 = arith.constant 0 : i32
      %dma_wait3A_676 = tpu.memref_slice %arg7[%arg1, %dma_wait3A_665, %dma_wait3A_674, %dma_wait3A_675] : memref<16x2x16x1024xf32, #tpu.memory_space<vmem_shared>> -> memref<1x1x16x1024xf32, #tpu.memory_space<vmem_shared>>
      %dma_wait3A_677 = tpu.memref_squeeze %dma_wait3A_676 : memref<1x1x16x1024xf32, #tpu.memory_space<vmem_shared>> -> memref<16x1024xf32, #tpu.memory_space<vmem_shared>>
      %dma_wait3A_678 = arith.constant 0 : i32
      %dma_wait3A_679 = arith.constant 0 : i32
      %dma_wait3A_680 = tpu.memref_slice %arg6[%dma_wait3A_664, %dma_wait3A_678, %dma_wait3A_679] : memref<4x16x1024xf32, #tpu.memory_space<vmem>> -> memref<1x16x1024xf32, #tpu.memory_space<vmem>>
      %dma_wait3A_681 = tpu.memref_squeeze %dma_wait3A_680 : memref<1x16x1024xf32, #tpu.memory_space<vmem>> -> memref<16x1024xf32, #tpu.memory_space<vmem>>
      tpu.wait_dma2 semaphore(%arg14 : memref<!tpu.dma_semaphore, #tpu.memory_space<semaphore_mem>>) src(%dma_wait3A_681 : memref<16x1024xf32, #tpu.memory_space<vmem>>) dst(%dma_wait3A_677 : memref<16x1024xf32, #tpu.memory_space<vmem_shared>>)
      %mul3A_682 = arith.constant 16 : i32
      %mul3A_683 = arith.muli %add3A_607, %mul3A_682 : i32
      %add3A_684 = arith.addi %mul3A_32, %mul3A_683 : i32
      %dma_start3A_685 = arith.constant 0 : i32
      %dma_start3A_686 = arith.constant 0 : i32
      %dma_start3A_687 = tpu.memref_slice %arg4[%select_n3A, %add3A_684, %dma_start3A_686] : memref<4x8192x1024xf32, #tpu.memory_space<hbm>> -> memref<1x16x1024xf32, #tpu.memory_space<hbm>>
      %dma_start3A_688 = tpu.memref_squeeze %dma_start3A_687 : memref<1x16x1024xf32, #tpu.memory_space<hbm>> -> memref<16x1024xf32, #tpu.memory_space<hbm>>
      %dma_start3A_689 = arith.constant 0 : i32
      %dma_start3A_690 = arith.constant 0 : i32
      %dma_start3A_691 = tpu.memref_slice %arg7[%arg1, %dma_start3A_685, %dma_start3A_689, %dma_start3A_690] : memref<16x2x16x1024xf32, #tpu.memory_space<vmem_shared>> -> memref<1x1x16x1024xf32, #tpu.memory_space<vmem_shared>>
      %dma_start3A_692 = tpu.memref_squeeze %dma_start3A_691 : memref<1x1x16x1024xf32, #tpu.memory_space<vmem_shared>> -> memref<16x1024xf32, #tpu.memory_space<vmem_shared>>
      tpu.enqueue_dma source(%dma_start3A_692 : memref<16x1024xf32, #tpu.memory_space<vmem_shared>>) target(%dma_start3A_688 : memref<16x1024xf32, #tpu.memory_space<hbm>>) target_semaphore(%arg16 : memref<!tpu.dma_semaphore, #tpu.memory_space<semaphore_mem>>)
      %mul3A_693 = arith.constant 4 : i32
      %mul3A_694 = arith.muli %mul3A_693, %scan3A_425 : i32
      %add3A_695 = arith.constant 3 : i32
      %add3A_696 = arith.addi %mul3A_694, %add3A_695 : i32
      %dma_wait3A_697 = arith.constant 3 : i32
      %dma_wait3A_698 = arith.constant 0 : i32
      %dma_wait3A_699 = arith.constant 0 : i32
      %dma_wait3A_700 = tpu.memref_slice %arg6[%dma_wait3A_697, %dma_wait3A_698, %dma_wait3A_699] : memref<4x16x1024xf32, #tpu.memory_space<vmem>> -> memref<1x16x1024xf32, #tpu.memory_space<vmem>>
      %dma_wait3A_701 = tpu.memref_squeeze %dma_wait3A_700 : memref<1x16x1024xf32, #tpu.memory_space<vmem>> -> memref<16x1024xf32, #tpu.memory_space<vmem>>
      %dma_wait3A_702 = arith.constant 0 : i32
      %dma_wait3A_703 = arith.constant 0 : i32
      %dma_wait3A_704 = tpu.memref_slice %arg3[%dma_wait3A_702, %dma_wait3A_703] : memref<100000x1024xf32, #tpu.memory_space<hbm>> -> memref<16x1024xf32, #tpu.memory_space<hbm>>
      %dma_wait3A_705 = arith.constant 0 : i32
      %dma_wait3A_706 = arith.constant 0 : i32
      %dma_wait3A_707 = tpu.memref_slice %arg6[%dma_wait3A_697, %dma_wait3A_705, %dma_wait3A_706] : memref<4x16x1024xf32, #tpu.memory_space<vmem>> -> memref<1x16x1024xf32, #tpu.memory_space<vmem>>
      %dma_wait3A_708 = tpu.memref_squeeze %dma_wait3A_707 : memref<1x16x1024xf32, #tpu.memory_space<vmem>> -> memref<16x1024xf32, #tpu.memory_space<vmem>>
      %dma_wait3A_709 = arith.constant 0 : i32
      %dma_wait3A_710 = arith.constant 0 : i32
      %dma_wait3A_711 = tpu.memref_slice %arg3[%dma_wait3A_709, %dma_wait3A_710] : memref<100000x1024xf32, #tpu.memory_space<hbm>> -> memref<16x1024xf32, #tpu.memory_space<hbm>>
      tpu.wait_dma2 semaphore(%arg11 : memref<!tpu.dma_semaphore, #tpu.memory_space<semaphore_mem>>) src(%dma_wait3A_711 : memref<16x1024xf32, #tpu.memory_space<hbm>>) dst(%dma_wait3A_708 : memref<16x1024xf32, #tpu.memory_space<vmem>>)
      %dma_wait3A_712 = arith.constant 1 : i32
      %dma_wait3A_713 = arith.constant 0 : i32
      %dma_wait3A_714 = tpu.memref_slice %arg4[%select_n3A, %mul3A_32, %dma_wait3A_713] : memref<4x8192x1024xf32, #tpu.memory_space<hbm>> -> memref<1x16x1024xf32, #tpu.memory_space<hbm>>
      %dma_wait3A_715 = tpu.memref_squeeze %dma_wait3A_714 : memref<1x16x1024xf32, #tpu.memory_space<hbm>> -> memref<16x1024xf32, #tpu.memory_space<hbm>>
      %dma_wait3A_716 = arith.constant 0 : i32
      %dma_wait3A_717 = arith.constant 0 : i32
      %dma_wait3A_718 = tpu.memref_slice %arg7[%arg1, %dma_wait3A_712, %dma_wait3A_716, %dma_wait3A_717] : memref<16x2x16x1024xf32, #tpu.memory_space<vmem_shared>> -> memref<1x1x16x1024xf32, #tpu.memory_space<vmem_shared>>
      %dma_wait3A_719 = tpu.memref_squeeze %dma_wait3A_718 : memref<1x1x16x1024xf32, #tpu.memory_space<vmem_shared>> -> memref<16x1024xf32, #tpu.memory_space<vmem_shared>>
      tpu.wait_dma2 semaphore(%arg17 : memref<!tpu.dma_semaphore, #tpu.memory_space<semaphore_mem>>) src(%dma_wait3A_719 : memref<16x1024xf32, #tpu.memory_space<vmem_shared>>) dst(%dma_wait3A_715 : memref<16x1024xf32, #tpu.memory_space<hbm>>)
      %dma_start3A_720 = arith.constant 3 : i32
      %dma_start3A_721 = arith.constant 1 : i32
      %dma_start3A_722 = arith.constant 0 : i32
      %dma_start3A_723 = arith.constant 0 : i32
      %dma_start3A_724 = tpu.memref_slice %arg6[%dma_start3A_720, %dma_start3A_722, %dma_start3A_723] : memref<4x16x1024xf32, #tpu.memory_space<vmem>> -> memref<1x16x1024xf32, #tpu.memory_space<vmem>>
      %dma_start3A_725 = tpu.memref_squeeze %dma_start3A_724 : memref<1x16x1024xf32, #tpu.memory_space<vmem>> -> memref<16x1024xf32, #tpu.memory_space<vmem>>
      %dma_start3A_726 = arith.constant 0 : i32
      %dma_start3A_727 = arith.constant 0 : i32
      %dma_start3A_728 = tpu.memref_slice %arg7[%arg1, %dma_start3A_721, %dma_start3A_726, %dma_start3A_727] : memref<16x2x16x1024xf32, #tpu.memory_space<vmem_shared>> -> memref<1x1x16x1024xf32, #tpu.memory_space<vmem_shared>>
      %dma_start3A_729 = tpu.memref_squeeze %dma_start3A_728 : memref<1x1x16x1024xf32, #tpu.memory_space<vmem_shared>> -> memref<16x1024xf32, #tpu.memory_space<vmem_shared>>
      %dma_start3A_730 = arith.constant 0 : i32
      %dma_start3A_731 = arith.constant 0 : i32
      %dma_start3A_732 = tpu.memref_slice %arg7[%arg1, %dma_start3A_721, %dma_start3A_730, %dma_start3A_731] : memref<16x2x16x1024xf32, #tpu.memory_space<vmem_shared>> -> memref<1x1x16x1024xf32, #tpu.memory_space<vmem_shared>>
      %dma_start3A_733 = tpu.memref_squeeze %dma_start3A_732 : memref<1x1x16x1024xf32, #tpu.memory_space<vmem_shared>> -> memref<16x1024xf32, #tpu.memory_space<vmem_shared>>
      %dma_start3A_734 = arith.constant 0 : i32
      %dma_start3A_735 = arith.constant 0 : i32
      %dma_start3A_736 = tpu.memref_slice %arg6[%dma_start3A_720, %dma_start3A_734, %dma_start3A_735] : memref<4x16x1024xf32, #tpu.memory_space<vmem>> -> memref<1x16x1024xf32, #tpu.memory_space<vmem>>
      %dma_start3A_737 = tpu.memref_squeeze %dma_start3A_736 : memref<1x16x1024xf32, #tpu.memory_space<vmem>> -> memref<16x1024xf32, #tpu.memory_space<vmem>>
      tpu.enqueue_dma source(%dma_start3A_737 : memref<16x1024xf32, #tpu.memory_space<vmem>>) target(%dma_start3A_733 : memref<16x1024xf32, #tpu.memory_space<vmem_shared>>) target_semaphore(%arg15 : memref<!tpu.dma_semaphore, #tpu.memory_space<semaphore_mem>>)
      %add3A_738 = arith.constant 2 : i32
      %add3A_739 = arith.addi %add3A_696, %add3A_738 : i32
      %min3A_740 = arith.constant 63 : i32
      %min3A_741 = arith.minsi %add3A_739, %min3A_740 : i32
      %mul3A_742 = arith.constant 16 : i32
      %mul3A_743 = arith.muli %min3A_741, %mul3A_742 : i32
      %dma_start3A_744 = arith.constant 1 : i32
      %dma_start3A_745 = arith.constant 0 : i32
      %dma_start3A_746 = arith.constant 0 : i32
      %dma_start3A_747 = tpu.memref_slice %arg6[%dma_start3A_744, %dma_start3A_745, %dma_start3A_746] : memref<4x16x1024xf32, #tpu.memory_space<vmem>> -> memref<1x16x1024xf32, #tpu.memory_space<vmem>>
      %dma_start3A_748 = tpu.memref_squeeze %dma_start3A_747 : memref<1x16x1024xf32, #tpu.memory_space<vmem>> -> memref<16x1024xf32, #tpu.memory_space<vmem>>
      %dma_start3A_749 = tpu.memref_slice %arg5[%mul3A_743] : memref<1024xi32, #tpu.memory_space<vmem>> -> memref<16xi32, #tpu.memory_space<vmem>>
      %dma_start3A_750 = arith.constant 0 : i32
      %dma_start3A_751 = arith.constant 0 : i32
      %dma_start3A_752 = tpu.memref_slice %arg3[%dma_start3A_750, %dma_start3A_751] : memref<100000x1024xf32, #tpu.memory_space<hbm>> -> memref<100000x1024xf32, #tpu.memory_space<hbm>>
      tpu.enqueue_indirect_dma source(%dma_start3A_752 : memref<100000x1024xf32, #tpu.memory_space<hbm>>) target(%dma_start3A_748 : memref<16x1024xf32, #tpu.memory_space<vmem>>) offsets(%dma_start3A_749 : memref<16xi32, #tpu.memory_space<vmem>>) semaphore(%arg9 : memref<!tpu.dma_semaphore, #tpu.memory_space<semaphore_mem>>)
      %dma_wait3A_753 = arith.constant 3 : i32
      %dma_wait3A_754 = arith.constant 0 : i32
      %dma_wait3A_755 = arith.constant 0 : i32
      %dma_wait3A_756 = arith.constant 0 : i32
      %dma_wait3A_757 = tpu.memref_slice %arg6[%dma_wait3A_753, %dma_wait3A_755, %dma_wait3A_756] : memref<4x16x1024xf32, #tpu.memory_space<vmem>> -> memref<1x16x1024xf32, #tpu.memory_space<vmem>>
      %dma_wait3A_758 = tpu.memref_squeeze %dma_wait3A_757 : memref<1x16x1024xf32, #tpu.memory_space<vmem>> -> memref<16x1024xf32, #tpu.memory_space<vmem>>
      %dma_wait3A_759 = arith.constant 0 : i32
      %dma_wait3A_760 = arith.constant 0 : i32
      %dma_wait3A_761 = tpu.memref_slice %arg7[%arg1, %dma_wait3A_754, %dma_wait3A_759, %dma_wait3A_760] : memref<16x2x16x1024xf32, #tpu.memory_space<vmem_shared>> -> memref<1x1x16x1024xf32, #tpu.memory_space<vmem_shared>>
      %dma_wait3A_762 = tpu.memref_squeeze %dma_wait3A_761 : memref<1x1x16x1024xf32, #tpu.memory_space<vmem_shared>> -> memref<16x1024xf32, #tpu.memory_space<vmem_shared>>
      %dma_wait3A_763 = arith.constant 0 : i32
      %dma_wait3A_764 = arith.constant 0 : i32
      %dma_wait3A_765 = tpu.memref_slice %arg7[%arg1, %dma_wait3A_754, %dma_wait3A_763, %dma_wait3A_764] : memref<16x2x16x1024xf32, #tpu.memory_space<vmem_shared>> -> memref<1x1x16x1024xf32, #tpu.memory_space<vmem_shared>>
      %dma_wait3A_766 = tpu.memref_squeeze %dma_wait3A_765 : memref<1x1x16x1024xf32, #tpu.memory_space<vmem_shared>> -> memref<16x1024xf32, #tpu.memory_space<vmem_shared>>
      %dma_wait3A_767 = arith.constant 0 : i32
      %dma_wait3A_768 = arith.constant 0 : i32
      %dma_wait3A_769 = tpu.memref_slice %arg6[%dma_wait3A_753, %dma_wait3A_767, %dma_wait3A_768] : memref<4x16x1024xf32, #tpu.memory_space<vmem>> -> memref<1x16x1024xf32, #tpu.memory_space<vmem>>
      %dma_wait3A_770 = tpu.memref_squeeze %dma_wait3A_769 : memref<1x16x1024xf32, #tpu.memory_space<vmem>> -> memref<16x1024xf32, #tpu.memory_space<vmem>>
      tpu.wait_dma2 semaphore(%arg15 : memref<!tpu.dma_semaphore, #tpu.memory_space<semaphore_mem>>) src(%dma_wait3A_770 : memref<16x1024xf32, #tpu.memory_space<vmem>>) dst(%dma_wait3A_766 : memref<16x1024xf32, #tpu.memory_space<vmem_shared>>)
      %mul3A_771 = arith.constant 16 : i32
      %mul3A_772 = arith.muli %add3A_696, %mul3A_771 : i32
      %add3A_773 = arith.addi %mul3A_32, %mul3A_772 : i32
      %dma_start3A_774 = arith.constant 1 : i32
      %dma_start3A_775 = arith.constant 0 : i32
      %dma_start3A_776 = tpu.memref_slice %arg4[%select_n3A, %add3A_773, %dma_start3A_775] : memref<4x8192x1024xf32, #tpu.memory_space<hbm>> -> memref<1x16x1024xf32, #tpu.memory_space<hbm>>
      %dma_start3A_777 = tpu.memref_squeeze %dma_start3A_776 : memref<1x16x1024xf32, #tpu.memory_space<hbm>> -> memref<16x1024xf32, #tpu.memory_space<hbm>>
      %dma_start3A_778 = arith.constant 0 : i32
      %dma_start3A_779 = arith.constant 0 : i32
      %dma_start3A_780 = tpu.memref_slice %arg7[%arg1, %dma_start3A_774, %dma_start3A_778, %dma_start3A_779] : memref<16x2x16x1024xf32, #tpu.memory_space<vmem_shared>> -> memref<1x1x16x1024xf32, #tpu.memory_space<vmem_shared>>
      %dma_start3A_781 = tpu.memref_squeeze %dma_start3A_780 : memref<1x1x16x1024xf32, #tpu.memory_space<vmem_shared>> -> memref<16x1024xf32, #tpu.memory_space<vmem_shared>>
      tpu.enqueue_dma source(%dma_start3A_781 : memref<16x1024xf32, #tpu.memory_space<vmem_shared>>) target(%dma_start3A_777 : memref<16x1024xf32, #tpu.memory_space<hbm>>) target_semaphore(%arg17 : memref<!tpu.dma_semaphore, #tpu.memory_space<semaphore_mem>>)
    }
    %scan3A_378 = arith.constant 15 : i32
    %dma_wait3A_379 = arith.constant 0 : i32
    %dma_wait3A_380 = arith.constant 0 : i32
    %dma_wait3A_381 = arith.constant 0 : i32
    %dma_wait3A_382 = tpu.memref_slice %arg6[%dma_wait3A_379, %dma_wait3A_380, %dma_wait3A_381] : memref<4x16x1024xf32, #tpu.memory_space<vmem>> -> memref<1x16x1024xf32, #tpu.memory_space<vmem>>
    %dma_wait3A_383 = tpu.memref_squeeze %dma_wait3A_382 : memref<1x16x1024xf32, #tpu.memory_space<vmem>> -> memref<16x1024xf32, #tpu.memory_space<vmem>>
    %dma_wait3A_384 = arith.constant 0 : i32
    %dma_wait3A_385 = arith.constant 0 : i32
    %dma_wait3A_386 = tpu.memref_slice %arg3[%dma_wait3A_384, %dma_wait3A_385] : memref<100000x1024xf32, #tpu.memory_space<hbm>> -> memref<16x1024xf32, #tpu.memory_space<hbm>>
    %dma_wait3A_387 = arith.constant 0 : i32
    %dma_wait3A_388 = arith.constant 0 : i32
    %dma_wait3A_389 = tpu.memref_slice %arg6[%dma_wait3A_379, %dma_wait3A_387, %dma_wait3A_388] : memref<4x16x1024xf32, #tpu.memory_space<vmem>> -> memref<1x16x1024xf32, #tpu.memory_space<vmem>>
    %dma_wait3A_390 = tpu.memref_squeeze %dma_wait3A_389 : memref<1x16x1024xf32, #tpu.memory_space<vmem>> -> memref<16x1024xf32, #tpu.memory_space<vmem>>
    %dma_wait3A_391 = arith.constant 0 : i32
    %dma_wait3A_392 = arith.constant 0 : i32
    %dma_wait3A_393 = tpu.memref_slice %arg3[%dma_wait3A_391, %dma_wait3A_392] : memref<100000x1024xf32, #tpu.memory_space<hbm>> -> memref<16x1024xf32, #tpu.memory_space<hbm>>
    tpu.wait_dma2 semaphore(%arg8 : memref<!tpu.dma_semaphore, #tpu.memory_space<semaphore_mem>>) src(%dma_wait3A_393 : memref<16x1024xf32, #tpu.memory_space<hbm>>) dst(%dma_wait3A_390 : memref<16x1024xf32, #tpu.memory_space<vmem>>)
    %dma_wait3A_394 = arith.constant 1 : i32
    %dma_wait3A_395 = arith.constant 0 : i32
    %dma_wait3A_396 = arith.constant 0 : i32
    %dma_wait3A_397 = tpu.memref_slice %arg6[%dma_wait3A_394, %dma_wait3A_395, %dma_wait3A_396] : memref<4x16x1024xf32, #tpu.memory_space<vmem>> -> memref<1x16x1024xf32, #tpu.memory_space<vmem>>
    %dma_wait3A_398 = tpu.memref_squeeze %dma_wait3A_397 : memref<1x16x1024xf32, #tpu.memory_space<vmem>> -> memref<16x1024xf32, #tpu.memory_space<vmem>>
    %dma_wait3A_399 = arith.constant 0 : i32
    %dma_wait3A_400 = arith.constant 0 : i32
    %dma_wait3A_401 = tpu.memref_slice %arg3[%dma_wait3A_399, %dma_wait3A_400] : memref<100000x1024xf32, #tpu.memory_space<hbm>> -> memref<16x1024xf32, #tpu.memory_space<hbm>>
    %dma_wait3A_402 = arith.constant 0 : i32
    %dma_wait3A_403 = arith.constant 0 : i32
    %dma_wait3A_404 = tpu.memref_slice %arg6[%dma_wait3A_394, %dma_wait3A_402, %dma_wait3A_403] : memref<4x16x1024xf32, #tpu.memory_space<vmem>> -> memref<1x16x1024xf32, #tpu.memory_space<vmem>>
    %dma_wait3A_405 = tpu.memref_squeeze %dma_wait3A_404 : memref<1x16x1024xf32, #tpu.memory_space<vmem>> -> memref<16x1024xf32, #tpu.memory_space<vmem>>
    %dma_wait3A_406 = arith.constant 0 : i32
    %dma_wait3A_407 = arith.constant 0 : i32
    %dma_wait3A_408 = tpu.memref_slice %arg3[%dma_wait3A_406, %dma_wait3A_407] : memref<100000x1024xf32, #tpu.memory_space<hbm>> -> memref<16x1024xf32, #tpu.memory_space<hbm>>
    tpu.wait_dma2 semaphore(%arg9 : memref<!tpu.dma_semaphore, #tpu.memory_space<semaphore_mem>>) src(%dma_wait3A_408 : memref<16x1024xf32, #tpu.memory_space<hbm>>) dst(%dma_wait3A_405 : memref<16x1024xf32, #tpu.memory_space<vmem>>)
    %dma_wait3A_409 = arith.constant 0 : i32
    %dma_wait3A_410 = arith.constant 0 : i32
    %dma_wait3A_411 = tpu.memref_slice %arg4[%select_n3A, %mul3A_32, %dma_wait3A_410] : memref<4x8192x1024xf32, #tpu.memory_space<hbm>> -> memref<1x16x1024xf32, #tpu.memory_space<hbm>>
    %dma_wait3A_412 = tpu.memref_squeeze %dma_wait3A_411 : memref<1x16x1024xf32, #tpu.memory_space<hbm>> -> memref<16x1024xf32, #tpu.memory_space<hbm>>
    %dma_wait3A_413 = arith.constant 0 : i32
    %dma_wait3A_414 = arith.constant 0 : i32
    %dma_wait3A_415 = tpu.memref_slice %arg7[%arg1, %dma_wait3A_409, %dma_wait3A_413, %dma_wait3A_414] : memref<16x2x16x1024xf32, #tpu.memory_space<vmem_shared>> -> memref<1x1x16x1024xf32, #tpu.memory_space<vmem_shared>>
    %dma_wait3A_416 = tpu.memref_squeeze %dma_wait3A_415 : memref<1x1x16x1024xf32, #tpu.memory_space<vmem_shared>> -> memref<16x1024xf32, #tpu.memory_space<vmem_shared>>
    tpu.wait_dma2 semaphore(%arg16 : memref<!tpu.dma_semaphore, #tpu.memory_space<semaphore_mem>>) src(%dma_wait3A_416 : memref<16x1024xf32, #tpu.memory_space<vmem_shared>>) dst(%dma_wait3A_412 : memref<16x1024xf32, #tpu.memory_space<hbm>>)
    %dma_wait3A_417 = arith.constant 1 : i32
    %dma_wait3A_418 = arith.constant 0 : i32
    %dma_wait3A_419 = tpu.memref_slice %arg4[%select_n3A, %mul3A_32, %dma_wait3A_418] : memref<4x8192x1024xf32, #tpu.memory_space<hbm>> -> memref<1x16x1024xf32, #tpu.memory_space<hbm>>
    %dma_wait3A_420 = tpu.memref_squeeze %dma_wait3A_419 : memref<1x16x1024xf32, #tpu.memory_space<hbm>> -> memref<16x1024xf32, #tpu.memory_space<hbm>>
    %dma_wait3A_421 = arith.constant 0 : i32
    %dma_wait3A_422 = arith.constant 0 : i32
    %dma_wait3A_423 = tpu.memref_slice %arg7[%arg1, %dma_wait3A_417, %dma_wait3A_421, %dma_wait3A_422] : memref<16x2x16x1024xf32, #tpu.memory_space<vmem_shared>> -> memref<1x1x16x1024xf32, #tpu.memory_space<vmem_shared>>
    %dma_wait3A_424 = tpu.memref_squeeze %dma_wait3A_423 : memref<1x1x16x1024xf32, #tpu.memory_space<vmem_shared>> -> memref<16x1024xf32, #tpu.memory_space<vmem_shared>>
    tpu.wait_dma2 semaphore(%arg17 : memref<!tpu.dma_semaphore, #tpu.memory_space<semaphore_mem>>) src(%dma_wait3A_424 : memref<16x1024xf32, #tpu.memory_space<vmem_shared>>) dst(%dma_wait3A_420 : memref<16x1024xf32, #tpu.memory_space<hbm>>)
    return
  }
}

</mosaic_0001>

<sc_bundles>
// kernel: kernel.3.cloned.1.call-start
scs
__scs_entry_jumppad:
0x0: {  	(pc) =	sbr.rel $0x88, $3  }
0x1: {  	(tag) =	ssettag $0x0;
	lr =	simm.s32 $0x1  }
0x2: {  	[smem:$0x3F9F] =	sst lr;
	_ =	strace $0xD0000000  }
0x3: {  	_ = 	snop  }
0x4: {  	_ = 	snop  }
0x5: {  	_ = 	snop  }
0x6: {  	_ = 	snop  }
0x7: {  	_ = 	snop  }
__scs_overlays_trampoline_lowered:
0x8: {  	[smem:$0x3FAE] =	sst s0  }
0x9: {  	[smem:$0x3FAF] =	sst s1  }
0xa: {  	[smem:$0x3FB0] =	sst s2  }
0xb: {  	[smem:$0x3FB1] =	sst s3  }
0xc: {  	[smem:$0x3FB2] =	sst s4  }
0xd: {  	[smem:$0x3FB3] =	sst s5  }
0xe: {  	[smem:$0x3FB4] =	sst s6  }
0xf: {  	[smem:$0x3FB5] =	sst s7  }
0x10: {  	[smem:$0x3FB6] =	sst s8  }
0x11: {  	[smem:$0x3FB7] =	sst s9;
	s0 =	simm.s32 @!p0 $0x0  }
0x12: {  	s1 =	sld [smem:$0x3F9D];
	s0 =	simm.s32 @p0 $0x1  }
0x13: {  	[smem:$0x3FB8] =	sst s0;
	s0 =	simm.s32 @!p1 $0x0  }
0x14: {  	s2 =	sld [smem:$0x3F9C];
	s0 =	simm.s32 @p1 $0x1  }
0x15: {  	[smem:$0x3FB9] =	sst s0;
	s0 =	simm.s32 @!p2 $0x0  }
0x16: {  	s3 =	sld [smem:$0x3FDB];
	s0 =	simm.s32 @p2 $0x1  }
0x17: {  	s4 =	simm.s32 $0x1BF5;
	[smem:$0x3FBB] =	sst s0  }
0x18: {  	s0 =	sld [smem:$0x3F9E];
	_ =	swait.ge [sflag:s4], $0x0  }
0x19: {  	s7 =	sld [smem:$0x3F9F]  }
0x1a: {  	s8 =	sadd.s32 $0xFFFFE003, lr  }
0x1b: {  	s9 =	sadd.s32 $0xFFFFFEF7, lr;
	s5 =	simm.s32 $0xFFFFFFFF;
	p2 =	slt.u32 s8, $0xFFFFF086  }
0x1c: {  	p1 =	slt.u32 s9, $0xF7A;
	s5 =	simm.s32 @!p2 $0x0  }
0x1d: {  	s5 =	simm.s32 @p1 $0x1;
	p0 =	seq.s32 s7, s2  }
0x1e: {  	s7 =	smul.u32 @!p0 $0xF7A, s2;
	p2 =	seq.s32 @!p0 s5, $0x0  }
0x1f: {  	s9 =	smul.u32 $0xF7A, s1;
	s8 =	simm.s32 @!p0 $0x1BF5;
	p2 =	por !p2, p0  }
0x20: {  	[sflag:s8] =	ssyncset.s32 @!p0 $0xFFFFF086;
	s6 =	sadd.s32 @!p0 s3, s7;
	s7 =	simm.s32 @!p0 $0x108  }
0x21: {  	s3 =	sadd.s32 s3, s9;
	s6 =	sadd.s32 @!p0 $0x88, s6;
	s7 =	simm.s32 @p2 $0x1082  }
0x22: {  	[simem:s7], [sflag:s8] =	dma.local @!p0 [hbm:s6], $0xF7A  }
0x23: {  	s9 =	sor.u32 $0xD0000000, s2;
	s6 =	simm.s32 $0x108;
	_ =	swait.ge @!p0 [sflag:s8], $0x0  }
0x24: {  	s3 =	sadd.s32 $0x88, s3;
	s6 =	simm.s32 @!p1 $0x1082;
	[sflag:s4] =	ssyncset.s32 $0xFFFFF086  }
0x25: {  	[simem:s6], [sflag:s4] =	dma.local [hbm:s3], $0xF7A  }
0x26: {  	[smem:$0x3F9F] =	sst s1;
	(tag) =	ssettag s2;
	_ =	strace s9  }
0x27: {  	s1 =	sld [smem:$0x3FAF]  }
0x28: {  	s2 =	sld [smem:$0x3FB0]  }
0x29: {  	s4 =	sld [smem:$0x3FB2]  }
0x2a: {  	p0 =	seq.s32 s5, $0x0;
	s5 =	sld [smem:$0x3FB3]  }
0x2b: {  	s6 =	sld [smem:$0x3FB4]  }
0x2c: {  	s7 =	sld [smem:$0x3FB5]  }
0x2d: {  	s3 =	simm.s32 $0x108;
	s8 =	sld [smem:$0x3FB6]  }
0x2e: {  	s3 =	simm.s32 @!p0 $0x1082;
	s9 =	sld [smem:$0x3FB7]  }
0x2f: {  	lr =	sadd.s32 s0, s3;
	s0 =	sld [smem:$0x3FAE]  }
0x30: {  	s3 =	sld [smem:$0x3FB1]  }
0x31: {  	[smem:$0x3FBA] =	sst s10  }
0x32: {  	s10 =	sld [smem:$0x3FB8];
	_ =	sdelay $0x3  }
0x33: {  	p0 =	seq.s32 s10, $0x1;
	s10 =	sld [smem:$0x3FBA];
	_ =	sdelay $0x3  }
0x34: {  	[smem:$0x3FBA] =	sst s10  }
0x35: {  	s10 =	sld [smem:$0x3FB9];
	_ =	sdelay $0x3  }
0x36: {  	p1 =	seq.s32 s10, $0x1;
	s10 =	sld [smem:$0x3FBA];
	_ =	sdelay $0x3  }
0x37: {  	[smem:$0x3FBA] =	sst s10  }
0x38: {  	s10 =	sld [smem:$0x3FBB]  }
0x39: {  	_ = 	snop;
	(pc) =	sbr.ind lr, $3  }
0x3a: {  	_ = 	snop  }
0x3b: {  	_ = 	snop  }
0x3c: {  	p2 =	seq.s32 s10, $0x1;
	s10 =	sld [smem:$0x3FBA]  }
0x3d: {  	_ =	shalt  }
0x3e: {  	_ =	shalt  }
0x3f: {  	_ =	shalt  }
0x40: {  	_ =	shalt  }
0x41: {  	_ =	shalt  }
0x42: {  	_ =	shalt  }
0x43: {  	_ =	shalt  }
0x44: {  	_ =	shalt  }
0x45: {  	_ =	shalt  }
0x46: {  	_ =	shalt  }
0x47: {  	_ =	shalt  }
0x48: {  	_ =	shalt  }
0x49: {  	_ =	shalt  }
0x4a: {  	_ =	shalt  }
0x4b: {  	_ =	shalt  }
0x4c: {  	_ =	shalt  }
0x4d: {  	_ =	shalt  }
0x4e: {  	_ =	shalt  }
0x4f: {  	_ =	shalt  }
0x50: {  	_ =	shalt  }
0x51: {  	_ =	shalt  }
0x52: {  	_ =	shalt  }
0x53: {  	_ =	shalt  }
0x54: {  	_ =	shalt  }
0x55: {  	_ =	shalt  }
0x56: {  	_ =	shalt  }
0x57: {  	_ =	shalt  }
0x58: {  	_ =	shalt  }
0x59: {  	_ =	shalt  }
0x5a: {  	_ =	shalt  }
0x5b: {  	_ =	shalt  }
0x5c: {  	_ =	shalt  }
0x5d: {  	_ =	shalt  }
0x5e: {  	_ =	shalt  }
0x5f: {  	_ =	shalt  }
0x60: {  	_ =	shalt  }
0x61: {  	_ =	shalt  }
0x62: {  	_ =	shalt  }
0x63: {  	_ =	shalt  }
0x64: {  	_ =	shalt  }
0x65: {  	_ =	shalt  }
0x66: {  	_ =	shalt  }
0x67: {  	_ =	shalt  }
0x68: {  	_ =	shalt  }
0x69: {  	_ =	shalt  }
0x6a: {  	_ =	shalt  }
0x6b: {  	_ =	shalt  }
0x6c: {  	_ =	shalt  }
0x6d: {  	_ =	shalt  }
0x6e: {  	_ =	shalt  }
0x6f: {  	_ =	shalt  }
0x70: {  	_ =	shalt  }
0x71: {  	_ =	shalt  }
0x72: {  	_ =	shalt  }
0x73: {  	_ =	shalt  }
0x74: {  	_ =	shalt  }
0x75: {  	_ =	shalt  }
0x76: {  	_ =	shalt  }
0x77: {  	_ =	shalt  }
0x78: {  	_ =	shalt  }
0x79: {  	_ =	shalt  }
0x7a: {  	_ =	shalt  }
0x7b: {  	_ =	shalt  }
0x7c: {  	_ =	shalt  }
0x7d: {  	_ =	shalt  }
0x7e: {  	_ =	shalt  }
0x7f: {  	_ =	shalt  }
0x80: {  	_ =	shalt  }
0x81: {  	_ =	shalt  }
0x82: {  	_ =	shalt  }
0x83: {  	_ =	shalt  }
0x84: {  	_ =	shalt  }
0x85: {  	_ =	shalt  }
0x86: {  	_ =	shalt  }
0x87: {  	_ =	shalt  }
.Lfunc_end0:
.L_simem_size_0:
called_computation_lowered:
.L_overlay_start_0:
0x88: {  	s2 =	sld [smem:$0x3FD9]  }
0x89: {  	s3 =	sld [smem:$0x3FFE];
	_ =	sdelay $0x1  }
0x8a: {  	s1 =	srdreg.scid  }
0x8b: {  	s0 =	sand.u32 $0x1, s1  }
0x8c: {  	s18 =	sshll.u32 s0, $0xA;
	s2 =	sadd.s32 s3, s2  }
0x8d: {  	s2 =	sadd.s32 s2, s18  }
0x8e: {  	[smem:$0x3FC6] =	sst s2  }
0x8f: {  	_ = 	snop  }
0x90: {  	s2 =	sld [smem:$0x3FC9]  }
0x91: {  	s19 =	sld [smem:$0x3FC8]  }
0x92: {  	s4 =	sld [smem:$0x3FD0];
	(tm) =	ssettm $0x1  }
0x93: {  	s5 =	sld [smem:$0x3FFB];
	_ =	sdelay $0x3  }
0x94: {  	_ =	strace s5  }
0x95: {  	s5 =	sld [smem:$0x3FFC];
	_ =	sdelay $0x3  }
0x96: {  	_ =	strace s5  }
0x97: {  	s5 =	sld [smem:$0x3FFD];
	_ =	sdelay $0x3  }
0x98: {  	_ =	strace s5  }
0x99: {  	_ =	strace $0x8FFFFFFF  }
0x9a: {  	s20 =	sld [smem:$0x3FDB];
	_ =	sdelay $0x1  }
0x9b: {  	s6 =	simm.s32 $_scs_section_size  }
0x9c: {  	s7 =	simm.s32 $_size__tile_overlayer_lowered;
	s8 =	simm.s32 $_tile_overlayer_lowered  }
0x9d: {  	s23 =	simm.s32 $0x1BFF;
	s22 =	sshll.u32 s8, $0x1;
	s5 =	sadd.s32 s6, s20  }
0x9e: {  	s9 =	simm.s32 $0x0;
	s21 =	sshll.u32 s7, $0x1;
	s7 =	sadd.s32 s22, s5  }
0x9f: {  	[timem:s9], [sflag:s23] =	dma.local [hbm:s7], s21  }
0xa0: {  	_ =	swait.ge [sflag:s23], s21  }
0xa1: {  	s6 =	ssub.s32 $0x0, s21;
	[sflag:s23] =	ssyncset.done $0x0  }
0xa2: {  	[sflag:s23] =	ssyncadd.s32 s6;
	_ =	sdelay $0x1  }
0xa3: {  	s24 =	simm.s32 $0x1B8B  }
0xa4: {  	_ =	swait.ge [sflag:s24], $0x1  }
0xa5: {  	[sflag:s24] =	ssyncset.done $0x0  }
0xa6: {  	s25 =	simm.s32 $0x1B8E;
	[sflag:s24] =	ssyncadd.s32 $0xFFFFFFFF  }
0xa7: {  	s26 =	simm.s32 $execute0_lowered;
	[smem:$0x3FD2] =	sst s25  }
0xa8: {  	s6 =	sshll.u32 s26, $0x1;
	_ =	strace $0x80000046;
	[dreg:$0x1] =	wrdreg $0xFFFFFFFF  }
0xa9: {  	s28 =	simm.s32 $_size_execute0_lowered;
	s5 =	sadd.s32 s5, s6;
	[dreg:$0x0] =	wrdreg $0x0  }
0xaa: {  	s6 =	sshll.u32 s28, $0x1;
	[dreg:$0x2] =	wrdreg s5  }
0xab: {  	[dreg:$0x3] =	wrdreg s6  }
0xac: {  	[dreg:$0x4] =	wrdreg $0xC0  }
0xad: {  	_ =	task [dreg:s9], $0x5FFFF  }
0xae: {  	[dreg:$0x1] =	wrdreg $0xFFFFFFFF  }
0xaf: {  	[dreg:$0x0] =	wrdreg $0x60  }
0xb0: {  	[dreg:$0x2] =	wrdreg s2  }
0xb1: {  	[dreg:$0x3] =	wrdreg s19  }
0xb2: {  	[dreg:$0x4] =	wrdreg s4  }
0xb3: {  	[dreg:$0x5] =	wrdreg $0x104000  }
0xb4: {  	[dreg:$0x6] =	wrdreg $0x9  }
0xb5: {  	_ =	task.clear_ibuf [dreg:s9], $0x7FFFF;
	_ =	strace $0x90000046  }
0xb6: {  	s29 =	simm.s32 $0x9;
	_ =	strace $0x80000048  }
0xb7: {  	_ =	swait.ge [sflag:s29], $0x1  }
0xb8: {  	[sflag:s29] =	ssyncadd.s32 $0xFFFFFFFF  }
0xb9: {  	_ =	strace $0x90000048  }
0xba: {  	_ =	sfence  }
0xbb: {  	s30 =	sld [smem:$0x0];
	_ =	sdelay $0x2  }
0xbc: {  	s31 =	sshll.u32 s1, $0xD;
	s1 =	sshrl.u32 s1, $0x2  }
0xbd: {  	s3 =	sand.u32 $0x4000, s31;
	s1 =	sadd.s32 s1, s30  }
0xbe: {  	s0 =	sor.u32 s3, s0;
	s1 =	sshll.u32 s1, $0x11  }
0xbf: {  	s0 =	sor.u32 s1, s0  }
0xc0: {  	s0 =	sadd.s32 $0x8F2B, s0  }
0xc1: {  	[sflag:s0] =	ssyncadd.remote.s32 $0x1  }
0xc2: {  	_ =	sfence.sel $0xFFFF  }
0xc3: {  	[dreg:$0x0] =	wrdreg $0xFFFFFFFF;
	(pc) =	sbr.abs _section_cstart, $3  }
0xc4: {  	[dreg:$0x1] =	wrdreg $0xFFFFFFFF  }
0xc5: {  	_ =	task.clear_ibuf [dreg:s9], $0x2FFFF;
	_ =	strace $0x9FFFFFFF  }
0xc6: {  	(tm) =	ssettm $0x7FFFFFFF  }
0xc7: {  	_ =	shalt  }
tec
execute0_lowered:
.L_overlay_start_1:
0x0: {  	(tag) =	ssettag $0x1  }
0x1: {  	s0 =	rddreg [dreg:$0x0]  }
0x2: {  	s1 =	rddreg [dreg:$0x1]  }
0x3: {  	s2 =	rddreg [dreg:$0x2]  }
0x4: {  	s4 =	rddreg [dreg:$0x3]  }
0x5: {  	s3 =	simm.s32 $0x0;
	s5 =	srdreg.scid;
	s12 =	stileid.u32  }
0x6: {  	s29 =	simm.s32 $0x3400;
	s30 =	simm.s32 $0x3C00;
	s31 =	simm.s32 $0x4400  }
0x7: {  	s28 =	simm.s32 $0x5400;
	[smem:$0x7FF] =	sst s3;
	s8 =	sand.u32 $0x1, s5  }
0x8: {  	s6 =	sshll.u32 s12, $0x1;
	s9 =	sshrl.u32 s12, $0x2;
	s16 =	sand.u32 $0x3, s12  }
0x9: {  	s12 =	sshll.u32 s12, $0xF;
	_ =	strace $0x80000047;
	s5 =	ssub.s32 $0x2, s8  }
0xa: {  	s6 =	sand.u32 $0x6, s6;
	s14 =	sshll.u32 s9, $0x4;
	s15 =	sshll.u32 s9, $0x17  }
0xb: {  	s9 =	sshll.u32 s16, $0x15;
	s17 =	sshll.u32 s8, $0x14;
	s16 =	simm.s32 $0xC00  }
0xc: {  	s7 =	sshrl.u32 s5, $0x1;
	s13 =	sor.u32 s8, s6;
	s0 =	sadd.s32 s0, s14  }
0xd: {  	s6 =	sadd.s32 $0x200, s1;
	s8 =	sadd.s32 s12, s4;
	s14 =	simm.s32 $0xC400  }
0xe: {  	s11 =	ssub.s32 s5, s7;
	s10 =	sshll.u32 s13, $0x14;
	s5 =	sshll.u32 s13, $0x9  }
0xf: {  	s7 =	sadd.s32 $0x300, s1;
	s13 =	simm.s32 $0x1400;
	s0 =	sadd.s32 s5, s0  }
0x10: {  	s5 =	sadd.s32 $0x100, s1;
	s10 =	sor.u32 s15, s10;
	s23 =	smax.u32 s11, $0x1  }
0x11: {  	s11 =	simm.s32 $0x0;
	[dreg:$0x5] =	wrdreg s0;
	s10 =	sshrl.u32 s10, $0x3  }
0x12: {  	s0 =	sor.u32 s9, s15;
	[dreg:$0xa] =	wrdreg s23;
	s15 =	simm.s32 $0x400  }
0x13: {  	s23 =	simm.s32 $0x4C00;
	s9 =	simm.s32 $0x7;
	s18 =	sadd.s32 s2, s10  }
0x14: {  	s0 =	sor.u32 s17, s0;
	s10 =	sadd.s32 $0x4000, s8;
	s17 =	simm.s32 $0x1C00  }
0x15: {  	s19 =	sadd.s32 $0x800, s18;
	s20 =	sor.u32 $0x14000, s0;
	[dreg:$0x6] =	wrdreg s18  }
0x16: {  	s21 =	sadd.s32 $0x1000, s18;
	s22 =	sadd.s32 $0x1800, s18;
	[dreg:$0x7] =	wrdreg s19  }
0x17: {  	s24 =	sor.u32 $0x10000, s0;
	s25 =	sor.u32 $0x18000, s0;
	[dreg:$0x8] =	wrdreg s21  }
0x18: {  	s0 =	sor.u32 $0x1C000, s0;
	s18 =	simm.s32 $0x3;
	[dreg:$0x9] =	wrdreg s22  }
0x19: {  	s4 =	sshrl.u32 s20, $0x3;
	s26 =	sshrl.u32 s25, $0x3;
	s0 =	sshrl.u32 s0, $0x3  }
0x1a: {  	s22 =	simm.s32 $0x2400;
	s25 =	simm.s32 $0x2;
	s19 =	simm.s32 $0x6  }
0x1b: {  	s20 =	simm.s32 $0x9;
	s21 =	simm.s32 $0x8;
	s4 =	sadd.s32 s4, s2  }
0x1c: {  	s0 =	sadd.s32 s0, s2;
	[dreg:$0xb] =	wrdreg s4;
	s4 =	sshrl.u32 s24, $0x3  }
0x1d: {  	v2 =	vlaneseq.u32;
	[dreg:$0xe] =	wrdreg s0;
	s24 =	simm.s32 $0x5;
	s4 =	sadd.s32 s4, s2  }
0x1e: {  	vm0 =	vmmov $0xffff;
	v1 =	vshrl.u32 v2, $0x3;
	[dreg:$0xc] =	wrdreg s4;
	s4 =	sadd.s32 s26, s2;
	s26 =	simm.s32 $0x2C00  }
0x1f: {  	v0 =	vand.u32 $0x7, v2;
	v2 =	vor.u32 $0x8, v2;
	v1 =	vmul.u32 $0x8, v1;
	s2 =	simm.s32 $0xA;
	[dreg:$0xd] =	wrdreg s4;
	s4 =	simm.s32 $0x4  }
.LBB2_1:
0x20: {  	[dreg:$0xf] =	wrdreg s11  }
0x21: {  	s0 =	rddreg [dreg:$0x5];
	s11 =	simm.s32 $0x80;
	s12 =	simm.s32 $0x200  }
0x22: {  	[tilespmem:s3], [sflag:$0xB] =	stream.strided.gather [hbm4b:s0+s11], $0x400, s12, s11, $0x38;
	[tilespmem:$0x18400] =	vst v63  }
0x23: {  	s11 =	simm.s32 $0xB  }
0x24: {  	_ =	swait.ge [sflag:s11], $0x400  }
0x25: {  	[sflag:s11] =	ssyncset.done $0x0  }
0x26: {  	[sflag:s11] =	ssyncadd.s32 $0xFFFFFC00  }
0x27: {  	v3 =	vld [tilespmem:$0x0];
	_ =	sdelay $0x4  }
0x28: {  	v4 =	vshll.u32 v3, $0x3  }
0x29: {  	v3 =	vand.u32 $0x7, v3;
	v4 =	vand.u32 $0xFFFFFFC0, v4  }
0x2a: {  	v3 =	vor.u32 v3, v4  }
0x2b: {  	v4 =	vperm.xlane v3, v0;
	_ =	sdelay $0x1  }
0x2c: {  	v4 =	vadd.s32 v1, v4;
	_ =	sdelay $0x4  }
0x2d: {  	[tilespmem:s15], [sflag:$0x1] =	stream.indirect_vreg.gather [hbm4b:s1+s3], $0x80, v4, vm0, $0xb8;
	[tilespmem:$0x18400] =	vst v63  }
0x2e: {  	v3 =	vperm.xlane v3, v2  }
0x2f: {  	[tilespmem:s16], [sflag:$0x1] =	stream.indirect_vreg.gather [hbm4b:s5+s3], $0x80, v4, vm0, $0xb8;
	[tilespmem:$0x18400] =	vst v63  }
0x30: {  	v3 =	vadd.s32 v1, v3  }
0x31: {  	[tilespmem:s13], [sflag:$0x1] =	stream.indirect_vreg.gather [hbm4b:s6+s3], $0x80, v4, vm0, $0xb8;
	[tilespmem:$0x18400] =	vst v63  }
0x32: {  	_ = 	snop  }
0x33: {  	[tilespmem:s17], [sflag:$0x1] =	stream.indirect_vreg.gather [hbm4b:s7+s3], $0x80, v4, vm0, $0xb8;
	[tilespmem:$0x18400] =	vst v63  }
0x34: {  	_ = 	snop  }
0x35: {  	[tilespmem:s22], [sflag:$0x1] =	stream.indirect_vreg.gather [hbm4b:s1+s3], $0x80, v3, vm0, $0xb8;
	[tilespmem:$0x18400] =	vst v63  }
0x36: {  	_ = 	snop  }
0x37: {  	[tilespmem:s26], [sflag:$0x1] =	stream.indirect_vreg.gather [hbm4b:s5+s3], $0x80, v3, vm0, $0xb8;
	[tilespmem:$0x18400] =	vst v63  }
0x38: {  	_ = 	snop  }
0x39: {  	[tilespmem:s29], [sflag:$0x1] =	stream.indirect_vreg.gather [hbm4b:s6+s3], $0x80, v3, vm0, $0xb8;
	[tilespmem:$0x18400] =	vst v63  }
0x3a: {  	_ = 	snop  }
0x3b: {  	[tilespmem:s30], [sflag:$0x1] =	stream.indirect_vreg.gather [hbm4b:s7+s3], $0x80, v3, vm0, $0xb8;
	[tilespmem:$0x18400] =	vst v63  }
0x3c: {  	v3 =	vld [tilespmem:$0x10];
	_ =	sdelay $0x4  }
0x3d: {  	v59 =	vshll.u32 v3, $0x3  }
0x3e: {  	v3 =	vand.u32 $0x7, v3;
	v4 =	vand.u32 $0xFFFFFFC0, v59  }
0x3f: {  	v3 =	vor.u32 v3, v4  }
0x40: {  	v4 =	vperm.xlane v3, v0;
	_ =	sdelay $0x1  }
0x41: {  	v4 =	vadd.s32 v1, v4;
	_ =	sdelay $0x4  }
0x42: {  	[tilespmem:s31], [sflag:$0x2] =	stream.indirect_vreg.gather [hbm4b:s1+s3], $0x80, v4, vm0, $0xb8;
	[tilespmem:$0x18400] =	vst v63  }
0x43: {  	v3 =	vperm.xlane v3, v2  }
0x44: {  	[tilespmem:s23], [sflag:$0x2] =	stream.indirect_vreg.gather [hbm4b:s5+s3], $0x80, v4, vm0, $0xb8;
	[tilespmem:$0x18400] =	vst v63  }
0x45: {  	v3 =	vadd.s32 v1, v3  }
0x46: {  	[tilespmem:s28], [sflag:$0x2] =	stream.indirect_vreg.gather [hbm4b:s6+s3], $0x80, v4, vm0, $0xb8;
	[tilespmem:$0x18400] =	vst v63  }
0x47: {  	s12 =	simm.s32 $0x5C00  }
0x48: {  	[tilespmem:s12], [sflag:$0x2] =	stream.indirect_vreg.gather [hbm4b:s7+s3], $0x80, v4, vm0, $0xb8;
	[tilespmem:$0x18400] =	vst v63  }
0x49: {  	s13 =	simm.s32 $0x6400  }
0x4a: {  	[tilespmem:s13], [sflag:$0x2] =	stream.indirect_vreg.gather [hbm4b:s1+s3], $0x80, v3, vm0, $0xb8;
	[tilespmem:$0x18400] =	vst v63  }
0x4b: {  	s23 =	simm.s32 $0x6C00  }
0x4c: {  	[tilespmem:s23], [sflag:$0x2] =	stream.indirect_vreg.gather [hbm4b:s5+s3], $0x80, v3, vm0, $0xb8;
	[tilespmem:$0x18400] =	vst v63  }
0x4d: {  	s11 =	simm.s32 $0x7400  }
0x4e: {  	[tilespmem:s11], [sflag:$0x2] =	stream.indirect_vreg.gather [hbm4b:s6+s3], $0x80, v3, vm0, $0xb8;
	[tilespmem:$0x18400] =	vst v63  }
0x4f: {  	s12 =	simm.s32 $0x7C00;
	s13 =	simm.s32 $0x1  }
0x50: {  	[tilespmem:s12], [sflag:$0x2] =	stream.indirect_vreg.gather [hbm4b:s7+s3], $0x80, v3, vm0, $0xb8;
	[tilespmem:$0x18400] =	vst v63  }
0x51: {  	_ =	swait.ge [sflag:s13], $0x4000  }
0x52: {  	[sflag:s13] =	ssyncset.done $0x0  }
0x53: {  	[sflag:s13] =	ssyncadd.s32 $0xFFFFC000  }
0x54: {  	[spmem:s8] =	stream.linear.scatter [tilespmem:s15], [sflag:$0x5], $0x4000, $0x38;
	[tilespmem:$0x18400] =	vst v63  }
0x55: {  	v3 =	vld [tilespmem:$0x20];
	_ =	sdelay $0x4  }
0x56: {  	v60 =	vshll.u32 v3, $0x3  }
0x57: {  	v3 =	vand.u32 $0x7, v3;
	v4 =	vand.u32 $0xFFFFFFC0, v60  }
0x58: {  	v3 =	vor.u32 v3, v4  }
0x59: {  	v4 =	vperm.xlane v3, v0;
	_ =	sdelay $0x1  }
0x5a: {  	v4 =	vadd.s32 v1, v4;
	_ =	sdelay $0x3  }
0x5b: {  	s23 =	simm.s32 $0x8400  }
0x5c: {  	[tilespmem:s23], [sflag:$0x3] =	stream.indirect_vreg.gather [hbm4b:s1+s3], $0x80, v4, vm0, $0xb8;
	[tilespmem:$0x18400] =	vst v63  }
0x5d: {  	s11 =	simm.s32 $0x8C00;
	v3 =	vperm.xlane v3, v2  }
0x5e: {  	[tilespmem:s11], [sflag:$0x3] =	stream.indirect_vreg.gather [hbm4b:s5+s3], $0x80, v4, vm0, $0xb8;
	[tilespmem:$0x18400] =	vst v63  }
0x5f: {  	s12 =	simm.s32 $0x9400;
	v3 =	vadd.s32 v1, v3  }
0x60: {  	[tilespmem:s12], [sflag:$0x3] =	stream.indirect_vreg.gather [hbm4b:s6+s3], $0x80, v4, vm0, $0xb8;
	[tilespmem:$0x18400] =	vst v63  }
0x61: {  	s13 =	simm.s32 $0x9C00  }
0x62: {  	[tilespmem:s13], [sflag:$0x3] =	stream.indirect_vreg.gather [hbm4b:s7+s3], $0x80, v4, vm0, $0xb8;
	[tilespmem:$0x18400] =	vst v63  }
0x63: {  	s23 =	simm.s32 $0xA400  }
0x64: {  	[tilespmem:s23], [sflag:$0x3] =	stream.indirect_vreg.gather [hbm4b:s1+s3], $0x80, v3, vm0, $0xb8;
	[tilespmem:$0x18400] =	vst v63  }
0x65: {  	s11 =	simm.s32 $0xAC00  }
0x66: {  	[tilespmem:s11], [sflag:$0x3] =	stream.indirect_vreg.gather [hbm4b:s5+s3], $0x80, v3, vm0, $0xb8;
	[tilespmem:$0x18400] =	vst v63  }
0x67: {  	s12 =	simm.s32 $0xB400  }
0x68: {  	[tilespmem:s12], [sflag:$0x3] =	stream.indirect_vreg.gather [hbm4b:s6+s3], $0x80, v3, vm0, $0xb8;
	[tilespmem:$0x18400] =	vst v63  }
0x69: {  	s13 =	simm.s32 $0xBC00;
	s23 =	stileid.u32  }
0x6a: {  	[tilespmem:s13], [sflag:$0x3] =	stream.indirect_vreg.gather [hbm4b:s7+s3], $0x80, v3, vm0, $0xb8;
	[tilespmem:$0x18400] =	vst v63  }
0x6b: {  	s0 =	sshll.u32 s23, $0x6;
	_ =	swait.ge [sflag:s24], $0x4000  }
0x6c: {  	s23 =	sor.u32 $0x1C09, s0;
	[sflag:s24] =	ssyncset.done $0x0  }
0x6d: {  	s11 =	sshrl.u32 s8, $0x3;
	[sflag:s24] =	ssyncadd.s32 $0xFFFFC000;
	s24 =	rddreg [dreg:$0x6]  }
0x6e: {  	[hbm:s24], [sflag:s23] =	dma.local [spmem:s11], $0x800  }
0x6f: {  	_ =	swait.ge [sflag:s25], $0x4000  }
0x70: {  	[sflag:s25] =	ssyncset.done $0x0  }
0x71: {  	[sflag:s25] =	ssyncadd.s32 $0xFFFFC000  }
0x72: {  	[spmem:s10] =	stream.linear.scatter [tilespmem:s31], [sflag:$0x6], $0x4000, $0x38;
	[tilespmem:$0x18400] =	vst v63  }
0x73: {  	v3 =	vld [tilespmem:$0x30];
	_ =	sdelay $0x4  }
0x74: {  	v61 =	vshll.u32 v3, $0x3  }
0x75: {  	v3 =	vand.u32 $0x7, v3;
	v4 =	vand.u32 $0xFFFFFFC0, v61  }
0x76: {  	v3 =	vor.u32 v3, v4  }
0x77: {  	v4 =	vperm.xlane v3, v0;
	_ =	sdelay $0x1  }
0x78: {  	v4 =	vadd.s32 v1, v4;
	_ =	sdelay $0x4  }
0x79: {  	[tilespmem:s14], [sflag:$0x4] =	stream.indirect_vreg.gather [hbm4b:s1+s3], $0x80, v4, vm0, $0xb8;
	[tilespmem:$0x18400] =	vst v63  }
0x7a: {  	s24 =	simm.s32 $0xCC00;
	v3 =	vperm.xlane v3, v2  }
0x7b: {  	[tilespmem:s24], [sflag:$0x4] =	stream.indirect_vreg.gather [hbm4b:s5+s3], $0x80, v4, vm0, $0xb8;
	[tilespmem:$0x18400] =	vst v63  }
0x7c: {  	v3 =	vadd.s32 v1, v3;
	s24 =	simm.s32 $0xD400  }
0x7d: {  	[tilespmem:s24], [sflag:$0x4] =	stream.indirect_vreg.gather [hbm4b:s6+s3], $0x80, v4, vm0, $0xb8;
	[tilespmem:$0x18400] =	vst v63  }
0x7e: {  	s24 =	simm.s32 $0xDC00  }
0x7f: {  	[tilespmem:s24], [sflag:$0x4] =	stream.indirect_vreg.gather [hbm4b:s7+s3], $0x80, v4, vm0, $0xb8;
	[tilespmem:$0x18400] =	vst v63  }
0x80: {  	s24 =	simm.s32 $0xE400  }
0x81: {  	[tilespmem:s24], [sflag:$0x4] =	stream.indirect_vreg.gather [hbm4b:s1+s3], $0x80, v3, vm0, $0xb8;
	[tilespmem:$0x18400] =	vst v63  }
0x82: {  	s24 =	simm.s32 $0xEC00  }
0x83: {  	[tilespmem:s24], [sflag:$0x4] =	stream.indirect_vreg.gather [hbm4b:s5+s3], $0x80, v3, vm0, $0xb8;
	[tilespmem:$0x18400] =	vst v63  }
0x84: {  	s24 =	simm.s32 $0xF400  }
0x85: {  	[tilespmem:s24], [sflag:$0x4] =	stream.indirect_vreg.gather [hbm4b:s6+s3], $0x80, v3, vm0, $0xb8;
	[tilespmem:$0x18400] =	vst v63  }
0x86: {  	s24 =	simm.s32 $0xFC00  }
0x87: {  	[tilespmem:s24], [sflag:$0x4] =	stream.indirect_vreg.gather [hbm4b:s7+s3], $0x80, v3, vm0, $0xb8;
	[tilespmem:$0x18400] =	vst v63  }
0x88: {  	_ =	swait.ge [sflag:s19], $0x4000  }
0x89: {  	s28 =	sshrl.u32 s10, $0x3;
	[sflag:s19] =	ssyncset.done $0x0  }
0x8a: {  	s12 =	sor.u32 $0x1C0A, s0;
	s0 =	rddreg [dreg:$0x7];
	[sflag:s19] =	ssyncadd.s32 $0xFFFFC000  }
0x8b: {  	[hbm:s0], [sflag:s12] =	dma.local [spmem:s28], $0x800  }
0x8c: {  	_ =	swait.ge [sflag:s18], $0x4000  }
0x8d: {  	[sflag:s18] =	ssyncset.done $0x0  }
0x8e: {  	[sflag:s18] =	ssyncadd.s32 $0xFFFFC000  }
0x8f: {  	_ =	swait.ge [sflag:s20], $0x800  }
0x90: {  	[sflag:s20] =	ssyncset.done $0x0  }
0x91: {  	s0 =	simm.s32 $0x8400;
	[sflag:s20] =	ssyncadd.s32 $0xFFFFF800  }
0x92: {  	[spmem:s8] =	stream.linear.scatter [tilespmem:s0], [sflag:$0x7], $0x4000, $0x38;
	[tilespmem:$0x18400] =	vst v63  }
0x93: {  	v3 =	vld [tilespmem:$0x40];
	_ =	sdelay $0x4  }
0x94: {  	v62 =	vshll.u32 v3, $0x3  }
0x95: {  	v3 =	vand.u32 $0x7, v3;
	v4 =	vand.u32 $0xFFFFFFC0, v62  }
0x96: {  	v3 =	vor.u32 v3, v4  }
0x97: {  	v4 =	vperm.xlane v3, v0;
	_ =	sdelay $0x1  }
0x98: {  	v4 =	vadd.s32 v1, v4;
	_ =	sdelay $0x4  }
0x99: {  	[tilespmem:s15], [sflag:$0x1] =	stream.indirect_vreg.gather [hbm4b:s1+s3], $0x80, v4, vm0, $0xb8;
	[tilespmem:$0x18400] =	vst v63  }
0x9a: {  	v3 =	vperm.xlane v3, v2  }
0x9b: {  	[tilespmem:s16], [sflag:$0x1] =	stream.indirect_vreg.gather [hbm4b:s5+s3], $0x80, v4, vm0, $0xb8;
	[tilespmem:$0x18400] =	vst v63  }
0x9c: {  	s13 =	simm.s32 $0x1400;
	v3 =	vadd.s32 v1, v3  }
0x9d: {  	[tilespmem:s13], [sflag:$0x1] =	stream.indirect_vreg.gather [hbm4b:s6+s3], $0x80, v4, vm0, $0xb8;
	[tilespmem:$0x18400] =	vst v63  }
0x9e: {  	_ = 	snop  }
0x9f: {  	[tilespmem:s17], [sflag:$0x1] =	stream.indirect_vreg.gather [hbm4b:s7+s3], $0x80, v4, vm0, $0xb8;
	[tilespmem:$0x18400] =	vst v63  }
0xa0: {  	_ = 	snop  }
0xa1: {  	[tilespmem:s22], [sflag:$0x1] =	stream.indirect_vreg.gather [hbm4b:s1+s3], $0x80, v3, vm0, $0xb8;
	[tilespmem:$0x18400] =	vst v63  }
0xa2: {  	_ = 	snop  }
0xa3: {  	[tilespmem:s26], [sflag:$0x1] =	stream.indirect_vreg.gather [hbm4b:s5+s3], $0x80, v3, vm0, $0xb8;
	[tilespmem:$0x18400] =	vst v63  }
0xa4: {  	_ = 	snop  }
0xa5: {  	[tilespmem:s29], [sflag:$0x1] =	stream.indirect_vreg.gather [hbm4b:s6+s3], $0x80, v3, vm0, $0xb8;
	[tilespmem:$0x18400] =	vst v63  }
0xa6: {  	_ = 	snop  }
0xa7: {  	[tilespmem:s30], [sflag:$0x1] =	stream.indirect_vreg.gather [hbm4b:s7+s3], $0x80, v3, vm0, $0xb8;
	[tilespmem:$0x18400] =	vst v63  }
0xa8: {  	_ =	swait.ge [sflag:s9], $0x4000  }
0xa9: {  	[sflag:s9] =	ssyncset.done $0x0  }
0xaa: {  	s26 =	rddreg [dreg:$0x8];
	[sflag:s9] =	ssyncadd.s32 $0xFFFFC000  }
0xab: {  	[hbm:s26], [sflag:s23] =	dma.local [spmem:s11], $0x800  }
0xac: {  	_ =	swait.ge [sflag:s4], $0x4000  }
0xad: {  	[sflag:s4] =	ssyncset.done $0x0  }
0xae: {  	[sflag:s4] =	ssyncadd.s32 $0xFFFFC000  }
0xaf: {  	_ =	swait.ge [sflag:s2], $0x800  }
0xb0: {  	[sflag:s2] =	ssyncset.done $0x0  }
0xb1: {  	[sflag:s2] =	ssyncadd.s32 $0xFFFFF800  }
0xb2: {  	[spmem:s10] =	stream.linear.scatter [tilespmem:s14], [sflag:$0x8], $0x4000, $0x38;
	[tilespmem:$0x18400] =	vst v63  }
0xb3: {  	v3 =	vld [tilespmem:$0x50];
	_ =	sdelay $0x4  }
0xb4: {  	v63 =	vshll.u32 v3, $0x3  }
0xb5: {  	v3 =	vand.u32 $0x7, v3;
	v4 =	vand.u32 $0xFFFFFFC0, v63  }
0xb6: {  	v3 =	vor.u32 v3, v4  }
0xb7: {  	v4 =	vperm.xlane v3, v0;
	_ =	sdelay $0x1  }
0xb8: {  	v4 =	vadd.s32 v1, v4;
	_ =	sdelay $0x4  }
0xb9: {  	[tilespmem:s31], [sflag:$0x2] =	stream.indirect_vreg.gather [hbm4b:s1+s3], $0x80, v4, vm0, $0xb8;
	[tilespmem:$0x18400] =	vst v63  }
0xba: {  	s13 =	simm.s32 $0x4C00;
	v3 =	vperm.xlane v3, v2  }
0xbb: {  	[tilespmem:s13], [sflag:$0x2] =	stream.indirect_vreg.gather [hbm4b:s5+s3], $0x80, v4, vm0, $0xb8;
	[tilespmem:$0x18400] =	vst v63  }
0xbc: {  	s24 =	simm.s32 $0x5400;
	v3 =	vadd.s32 v1, v3  }
0xbd: {  	[tilespmem:s24], [sflag:$0x2] =	stream.indirect_vreg.gather [hbm4b:s6+s3], $0x80, v4, vm0, $0xb8;
	[tilespmem:$0x18400] =	vst v63  }
0xbe: {  	s15 =	simm.s32 $0x5C00  }
0xbf: {  	[tilespmem:s15], [sflag:$0x2] =	stream.indirect_vreg.gather [hbm4b:s7+s3], $0x80, v4, vm0, $0xb8;
	[tilespmem:$0x18400] =	vst v63  }
0xc0: {  	s16 =	simm.s32 $0x6400  }
0xc1: {  	[tilespmem:s16], [sflag:$0x2] =	stream.indirect_vreg.gather [hbm4b:s1+s3], $0x80, v3, vm0, $0xb8;
	[tilespmem:$0x18400] =	vst v63  }
0xc2: {  	s17 =	simm.s32 $0x6C00  }
0xc3: {  	[tilespmem:s17], [sflag:$0x2] =	stream.indirect_vreg.gather [hbm4b:s5+s3], $0x80, v3, vm0, $0xb8;
	[tilespmem:$0x18400] =	vst v63  }
0xc4: {  	s22 =	simm.s32 $0x7400  }
0xc5: {  	[tilespmem:s22], [sflag:$0x2] =	stream.indirect_vreg.gather [hbm4b:s6+s3], $0x80, v3, vm0, $0xb8;
	[tilespmem:$0x18400] =	vst v63  }
0xc6: {  	s24 =	simm.s32 $0x7C00  }
0xc7: {  	[tilespmem:s24], [sflag:$0x2] =	stream.indirect_vreg.gather [hbm4b:s7+s3], $0x80, v3, vm0, $0xb8;
	[tilespmem:$0x18400] =	vst v63  }
0xc8: {  	_ =	swait.ge [sflag:s21], $0x4000  }
0xc9: {  	[sflag:s21] =	ssyncset.done $0x0  }
0xca: {  	s26 =	rddreg [dreg:$0x9];
	[sflag:s21] =	ssyncadd.s32 $0xFFFFC000  }
0xcb: {  	[hbm:s26], [sflag:s12] =	dma.local [spmem:s28], $0x800  }
0xcc: {  	s30 =	rddreg [dreg:$0xe]  }
0xcd: {  	s15 =	rddreg [dreg:$0xd]  }
0xce: {  	s29 =	simm.s32 $0x70;
	s31 =	simm.s32 $0x400;
	s16 =	rddreg [dreg:$0xc]  }
0xcf: {  	s17 =	simm.s32 $0x4;
	s26 =	simm.s32 $0x4400;
	s0 =	rddreg [dreg:$0xb]  }
.LBB2_2:
0xd0: {  	s13 =	simm.s32 $0x1  }
0xd1: {  	_ =	swait.ge [sflag:s13], $0x4000  }
0xd2: {  	[sflag:s13] =	ssyncset.done $0x0  }
0xd3: {  	[sflag:s13] =	ssyncadd.s32 $0xFFFFC000  }
0xd4: {  	_ =	swait.ge [sflag:s20], $0x800  }
0xd5: {  	[sflag:s20] =	ssyncset.done $0x0  }
0xd6: {  	[sflag:s20] =	ssyncadd.s32 $0xFFFFF800  }
0xd7: {  	[spmem:s8] =	stream.linear.scatter [tilespmem:s31], [sflag:$0x5], $0x4000, $0x38;
	[tilespmem:$0x18400] =	vst v63  }
0xd8: {  	v3 =	vld [tilespmem:s29+$0xFFFFFFF0];
	_ =	sdelay $0x4  }
0xd9: {  	v4 =	vshll.u32 v3, $0x3  }
0xda: {  	v3 =	vand.u32 $0x7, v3;
	v4 =	vand.u32 $0xFFFFFFC0, v4  }
0xdb: {  	v3 =	vor.u32 v3, v4  }
0xdc: {  	v4 =	vperm.xlane v3, v0;
	_ =	sdelay $0x1  }
0xdd: {  	v4 =	vadd.s32 v1, v4;
	_ =	sdelay $0x3  }
0xde: {  	s22 =	simm.s32 $0x8400  }
0xdf: {  	[tilespmem:s22], [sflag:$0x3] =	stream.indirect_vreg.gather [hbm4b:s1+s3], $0x80, v4, vm0, $0xb8;
	[tilespmem:$0x18400] =	vst v63  }
0xe0: {  	s24 =	simm.s32 $0x8C00;
	v3 =	vperm.xlane v3, v2  }
0xe1: {  	[tilespmem:s24], [sflag:$0x3] =	stream.indirect_vreg.gather [hbm4b:s5+s3], $0x80, v4, vm0, $0xb8;
	[tilespmem:$0x18400] =	vst v63  }
0xe2: {  	s13 =	simm.s32 $0x9400;
	v3 =	vadd.s32 v1, v3  }
0xe3: {  	[tilespmem:s13], [sflag:$0x3] =	stream.indirect_vreg.gather [hbm4b:s6+s3], $0x80, v4, vm0, $0xb8;
	[tilespmem:$0x18400] =	vst v63  }
0xe4: {  	s13 =	simm.s32 $0x9C00  }
0xe5: {  	[tilespmem:s13], [sflag:$0x3] =	stream.indirect_vreg.gather [hbm4b:s7+s3], $0x80, v4, vm0, $0xb8;
	[tilespmem:$0x18400] =	vst v63  }
0xe6: {  	s13 =	simm.s32 $0xA400  }
0xe7: {  	[tilespmem:s13], [sflag:$0x3] =	stream.indirect_vreg.gather [hbm4b:s1+s3], $0x80, v3, vm0, $0xb8;
	[tilespmem:$0x18400] =	vst v63  }
0xe8: {  	s13 =	simm.s32 $0xAC00  }
0xe9: {  	[tilespmem:s13], [sflag:$0x3] =	stream.indirect_vreg.gather [hbm4b:s5+s3], $0x80, v3, vm0, $0xb8;
	[tilespmem:$0x18400] =	vst v63  }
0xea: {  	s13 =	simm.s32 $0xB400  }
0xeb: {  	[tilespmem:s13], [sflag:$0x3] =	stream.indirect_vreg.gather [hbm4b:s6+s3], $0x80, v3, vm0, $0xb8;
	[tilespmem:$0x18400] =	vst v63  }
0xec: {  	s24 =	simm.s32 $0x5;
	s13 =	simm.s32 $0xBC00  }
0xed: {  	[tilespmem:s13], [sflag:$0x3] =	stream.indirect_vreg.gather [hbm4b:s7+s3], $0x80, v3, vm0, $0xb8;
	[tilespmem:$0x18400] =	vst v63  }
0xee: {  	_ =	swait.ge [sflag:s24], $0x4000  }
0xef: {  	[sflag:s24] =	ssyncset.done $0x0  }
0xf0: {  	[sflag:s24] =	ssyncadd.s32 $0xFFFFC000  }
0xf1: {  	[hbm:s16], [sflag:s23] =	dma.local [spmem:s11], $0x800  }
0xf2: {  	_ =	swait.ge [sflag:s25], $0x4000  }
0xf3: {  	[sflag:s25] =	ssyncset.done $0x0  }
0xf4: {  	[sflag:s25] =	ssyncadd.s32 $0xFFFFC000  }
0xf5: {  	_ =	swait.ge [sflag:s2], $0x800  }
0xf6: {  	[sflag:s2] =	ssyncset.done $0x0  }
0xf7: {  	[sflag:s2] =	ssyncadd.s32 $0xFFFFF800  }
0xf8: {  	[spmem:s10] =	stream.linear.scatter [tilespmem:s26], [sflag:$0x6], $0x4000, $0x38;
	[tilespmem:$0x18400] =	vst v63  }
0xf9: {  	v3 =	vld [tilespmem:s29+$0x0];
	_ =	sdelay $0x4  }
0xfa: {  	v61 =	vshll.u32 v3, $0x3  }
0xfb: {  	v3 =	vand.u32 $0x7, v3;
	v4 =	vand.u32 $0xFFFFFFC0, v61  }
0xfc: {  	v3 =	vor.u32 v3, v4  }
0xfd: {  	v4 =	vperm.xlane v3, v0;
	_ =	sdelay $0x1  }
0xfe: {  	v4 =	vadd.s32 v1, v4;
	_ =	sdelay $0x4  }
0xff: {  	[tilespmem:s14], [sflag:$0x4] =	stream.indirect_vreg.gather [hbm4b:s1+s3], $0x80, v4, vm0, $0xb8;
	[tilespmem:$0x18400] =	vst v63  }
0x100: {  	s13 =	simm.s32 $0xCC00;
	v3 =	vperm.xlane v3, v2  }
0x101: {  	[tilespmem:s13], [sflag:$0x4] =	stream.indirect_vreg.gather [hbm4b:s5+s3], $0x80, v4, vm0, $0xb8;
	[tilespmem:$0x18400] =	vst v63  }
0x102: {  	v3 =	vadd.s32 v1, v3;
	s13 =	simm.s32 $0xD400  }
0x103: {  	[tilespmem:s13], [sflag:$0x4] =	stream.indirect_vreg.gather [hbm4b:s6+s3], $0x80, v4, vm0, $0xb8;
	[tilespmem:$0x18400] =	vst v63  }
0x104: {  	s13 =	simm.s32 $0xDC00  }
0x105: {  	[tilespmem:s13], [sflag:$0x4] =	stream.indirect_vreg.gather [hbm4b:s7+s3], $0x80, v4, vm0, $0xb8;
	[tilespmem:$0x18400] =	vst v63  }
0x106: {  	s13 =	simm.s32 $0xE400  }
0x107: {  	[tilespmem:s13], [sflag:$0x4] =	stream.indirect_vreg.gather [hbm4b:s1+s3], $0x80, v3, vm0, $0xb8;
	[tilespmem:$0x18400] =	vst v63  }
0x108: {  	s13 =	simm.s32 $0xEC00  }
0x109: {  	[tilespmem:s13], [sflag:$0x4] =	stream.indirect_vreg.gather [hbm4b:s5+s3], $0x80, v3, vm0, $0xb8;
	[tilespmem:$0x18400] =	vst v63  }
0x10a: {  	s13 =	simm.s32 $0xF400  }
0x10b: {  	[tilespmem:s13], [sflag:$0x4] =	stream.indirect_vreg.gather [hbm4b:s6+s3], $0x80, v3, vm0, $0xb8;
	[tilespmem:$0x18400] =	vst v63  }
0x10c: {  	s13 =	simm.s32 $0xFC00  }
0x10d: {  	[tilespmem:s13], [sflag:$0x4] =	stream.indirect_vreg.gather [hbm4b:s7+s3], $0x80, v3, vm0, $0xb8;
	[tilespmem:$0x18400] =	vst v63  }
0x10e: {  	_ =	swait.ge [sflag:s19], $0x4000  }
0x10f: {  	[sflag:s19] =	ssyncset.done $0x0  }
0x110: {  	[sflag:s19] =	ssyncadd.s32 $0xFFFFC000  }
0x111: {  	[hbm:s0], [sflag:s12] =	dma.local [spmem:s28], $0x800  }
0x112: {  	_ =	swait.ge [sflag:s18], $0x4000  }
0x113: {  	[sflag:s18] =	ssyncset.done $0x0  }
0x114: {  	[sflag:s18] =	ssyncadd.s32 $0xFFFFC000  }
0x115: {  	_ =	swait.ge [sflag:s20], $0x800  }
0x116: {  	[sflag:s20] =	ssyncset.done $0x0  }
0x117: {  	s13 =	smin.u32 s17, $0x3B;
	[sflag:s20] =	ssyncadd.s32 $0xFFFFF800  }
0x118: {  	[spmem:s8] =	stream.linear.scatter [tilespmem:s22], [sflag:$0x7], $0x4000, $0x38;
	[tilespmem:$0x18400] =	vst v63  }
0x119: {  	s22 =	sshll.u32 s13, $0x4  }
0x11a: {  	v3 =	vld [tilespmem:s22+$0x40];
	_ =	sdelay $0x4  }
0x11b: {  	v62 =	vshll.u32 v3, $0x3  }
0x11c: {  	v3 =	vand.u32 $0x7, v3;
	v4 =	vand.u32 $0xFFFFFFC0, v62  }
0x11d: {  	v3 =	vor.u32 v3, v4  }
0x11e: {  	v4 =	vperm.xlane v3, v0;
	_ =	sdelay $0x1  }
0x11f: {  	v4 =	vadd.s32 v1, v4;
	_ =	sdelay $0x4  }
0x120: {  	[tilespmem:s31], [sflag:$0x1] =	stream.indirect_vreg.gather [hbm4b:s1+s3], $0x80, v4, vm0, $0xb8;
	[tilespmem:$0x18400] =	vst v63  }
0x121: {  	s22 =	simm.s32 $0xC00;
	v3 =	vperm.xlane v3, v2  }
0x122: {  	[tilespmem:s22], [sflag:$0x1] =	stream.indirect_vreg.gather [hbm4b:s5+s3], $0x80, v4, vm0, $0xb8;
	[tilespmem:$0x18400] =	vst v63  }
0x123: {  	v3 =	vadd.s32 v1, v3;
	s22 =	simm.s32 $0x1400  }
0x124: {  	[tilespmem:s22], [sflag:$0x1] =	stream.indirect_vreg.gather [hbm4b:s6+s3], $0x80, v4, vm0, $0xb8;
	[tilespmem:$0x18400] =	vst v63  }
0x125: {  	s22 =	simm.s32 $0x1C00  }
0x126: {  	[tilespmem:s22], [sflag:$0x1] =	stream.indirect_vreg.gather [hbm4b:s7+s3], $0x80, v4, vm0, $0xb8;
	[tilespmem:$0x18400] =	vst v63  }
0x127: {  	s22 =	simm.s32 $0x2400  }
0x128: {  	[tilespmem:s22], [sflag:$0x1] =	stream.indirect_vreg.gather [hbm4b:s1+s3], $0x80, v3, vm0, $0xb8;
	[tilespmem:$0x18400] =	vst v63  }
0x129: {  	s22 =	simm.s32 $0x2C00  }
0x12a: {  	[tilespmem:s22], [sflag:$0x1] =	stream.indirect_vreg.gather [hbm4b:s5+s3], $0x80, v3, vm0, $0xb8;
	[tilespmem:$0x18400] =	vst v63  }
0x12b: {  	s22 =	simm.s32 $0x3400  }
0x12c: {  	[tilespmem:s22], [sflag:$0x1] =	stream.indirect_vreg.gather [hbm4b:s6+s3], $0x80, v3, vm0, $0xb8;
	[tilespmem:$0x18400] =	vst v63  }
0x12d: {  	s22 =	simm.s32 $0x3C00  }
0x12e: {  	[tilespmem:s22], [sflag:$0x1] =	stream.indirect_vreg.gather [hbm4b:s7+s3], $0x80, v3, vm0, $0xb8;
	[tilespmem:$0x18400] =	vst v63  }
0x12f: {  	_ =	swait.ge [sflag:s9], $0x4000  }
0x130: {  	[sflag:s9] =	ssyncset.done $0x0  }
0x131: {  	[sflag:s9] =	ssyncadd.s32 $0xFFFFC000  }
0x132: {  	[hbm:s15], [sflag:s23] =	dma.local [spmem:s11], $0x800  }
0x133: {  	_ =	swait.ge [sflag:s4], $0x4000  }
0x134: {  	[sflag:s4] =	ssyncset.done $0x0  }
0x135: {  	[sflag:s4] =	ssyncadd.s32 $0xFFFFC000  }
0x136: {  	_ =	swait.ge [sflag:s2], $0x800  }
0x137: {  	s13 =	smin.u32 s17, $0x3A;
	[sflag:s2] =	ssyncset.done $0x0  }
0x138: {  	s22 =	sshll.u32 s13, $0x4;
	[sflag:s2] =	ssyncadd.s32 $0xFFFFF800  }
0x139: {  	[spmem:s10] =	stream.linear.scatter [tilespmem:s14], [sflag:$0x8], $0x4000, $0x38;
	[tilespmem:$0x18400] =	vst v63  }
0x13a: {  	v3 =	vld [tilespmem:s22+$0x50];
	_ =	sdelay $0x4  }
0x13b: {  	v63 =	vshll.u32 v3, $0x3  }
0x13c: {  	v3 =	vand.u32 $0x7, v3;
	v4 =	vand.u32 $0xFFFFFFC0, v63  }
0x13d: {  	v3 =	vor.u32 v3, v4  }
0x13e: {  	v4 =	vperm.xlane v3, v0;
	_ =	sdelay $0x1  }
0x13f: {  	v4 =	vadd.s32 v1, v4;
	_ =	sdelay $0x4  }
0x140: {  	[tilespmem:s26], [sflag:$0x2] =	stream.indirect_vreg.gather [hbm4b:s1+s3], $0x80, v4, vm0, $0xb8;
	[tilespmem:$0x18400] =	vst v63  }
0x141: {  	s22 =	simm.s32 $0x4C00;
	v3 =	vperm.xlane v3, v2  }
0x142: {  	[tilespmem:s22], [sflag:$0x2] =	stream.indirect_vreg.gather [hbm4b:s5+s3], $0x80, v4, vm0, $0xb8;
	[tilespmem:$0x18400] =	vst v63  }
0x143: {  	v3 =	vadd.s32 v1, v3;
	s22 =	simm.s32 $0x5400  }
0x144: {  	[tilespmem:s22], [sflag:$0x2] =	stream.indirect_vreg.gather [hbm4b:s6+s3], $0x80, v4, vm0, $0xb8;
	[tilespmem:$0x18400] =	vst v63  }
0x145: {  	s13 =	simm.s32 $0x5C00  }
0x146: {  	[tilespmem:s13], [sflag:$0x2] =	stream.indirect_vreg.gather [hbm4b:s7+s3], $0x80, v4, vm0, $0xb8;
	[tilespmem:$0x18400] =	vst v63  }
0x147: {  	s13 =	simm.s32 $0x6400  }
0x148: {  	[tilespmem:s13], [sflag:$0x2] =	stream.indirect_vreg.gather [hbm4b:s1+s3], $0x80, v3, vm0, $0xb8;
	[tilespmem:$0x18400] =	vst v63  }
0x149: {  	s13 =	simm.s32 $0x6C00  }
0x14a: {  	[tilespmem:s13], [sflag:$0x2] =	stream.indirect_vreg.gather [hbm4b:s5+s3], $0x80, v3, vm0, $0xb8;
	[tilespmem:$0x18400] =	vst v63  }
0x14b: {  	s13 =	simm.s32 $0x7400  }
0x14c: {  	[tilespmem:s13], [sflag:$0x2] =	stream.indirect_vreg.gather [hbm4b:s6+s3], $0x80, v3, vm0, $0xb8;
	[tilespmem:$0x18400] =	vst v63  }
0x14d: {  	p0 =	sne.s32 s17, $0x3C;
	s13 =	simm.s32 $0x7C00  }
0x14e: {  	[tilespmem:s13], [sflag:$0x2] =	stream.indirect_vreg.gather [hbm4b:s7+s3], $0x80, v3, vm0, $0xb8;
	[tilespmem:$0x18400] =	vst v63  }
.Ltmp0:
0x14f: {  	_ =	swait.ge [sflag:s21], $0x4000;
	(pc) =	sbr.rel @p0 .LBB2_2-.Ltmp0, $4  }
0x150: {  	s16 =	sadd.s32 $0x2000, s16;
	[sflag:s21] =	ssyncset.done $0x0  }
0x151: {  	s29 =	sadd.s32 $0x40, s29;
	s0 =	sadd.s32 $0x2000, s0;
	[sflag:s21] =	ssyncadd.s32 $0xFFFFC000  }
0x152: {  	[hbm:s30], [sflag:s12] =	dma.local [spmem:s28], $0x800  }
0x153: {  	s17 =	sadd.s32 $0x4, s17;
	s15 =	sadd.s32 $0x2000, s15;
	s30 =	sadd.s32 $0x2000, s30  }
0x154: {  	s0 =	simm.s32 $0x1  }
0x155: {  	_ =	swait.ge [sflag:s0], $0x4000  }
0x156: {  	[sflag:s0] =	ssyncset.done $0x0  }
0x157: {  	[sflag:s0] =	ssyncadd.s32 $0xFFFFC000  }
0x158: {  	_ =	swait.ge [sflag:s25], $0x4000  }
0x159: {  	[sflag:s25] =	ssyncset.done $0x0  }
0x15a: {  	[sflag:s25] =	ssyncadd.s32 $0xFFFFC000  }
0x15b: {  	_ =	swait.ge [sflag:s20], $0x800  }
0x15c: {  	[sflag:s20] =	ssyncset.done $0x0  }
0x15d: {  	[sflag:s20] =	ssyncadd.s32 $0xFFFFF800  }
0x15e: {  	_ =	swait.ge [sflag:s2], $0x800  }
0x15f: {  	s11 =	rddreg [dreg:$0xf]  }
0x160: {  	s26 =	rddreg [dreg:$0xa];
	s11 =	sadd.s32 $0x1, s11  }
0x161: {  	p0 =	sne.s32 s11, s26  }
.Ltmp1:
0x162: {  	s15 =	simm.s32 $0x400;
	(pc) =	sbr.rel @p0 .LBB2_1-.Ltmp1, $4  }
0x163: {  	s16 =	simm.s32 $0xC00;
	s13 =	simm.s32 $0x1400;
	s17 =	simm.s32 $0x1C00  }
0x164: {  	s22 =	simm.s32 $0x2400;
	s29 =	simm.s32 $0x3400;
	s30 =	simm.s32 $0x3C00  }
0x165: {  	s31 =	simm.s32 $0x4400;
	s23 =	simm.s32 $0x4C00;
	[sflag:s2] =	ssyncset.done $0x0  }
0x166: {  	s28 =	simm.s32 $0x5400;
	[sflag:s2] =	ssyncadd.s32 $0xFFFFF800;
	s26 =	simm.s32 $0x2C00  }
0x167: {  	_ =	sfence.sel $0x180000  }
0x168: {  	[bflag:$0x0] =	sbarrier.arrive $0xFFFF  }
0x169: {  	_ =	strace $0x90000047  }
0x16a: {  	s0 =	stileid.u32;
	[bflag:$0x2] =	sbarrier.arrive $0xFFFF  }
0x16b: {  	p0 =	sne.s32 s0, $0x0;
	s0 =	rddreg [dreg:$0x4]  }
0x16c: {  	s0 =	sadd.s32 @!p0 $0x100000, s0  }
0x16d: {  	[sflag:s0] =	ssyncadd.tile.s32 @!p0 $0x1;
	_ =	shalt  }
.Lfunc_end2:
_tile_overlayer_lowered:
.L_overlay_start_2:
0x16e: {  	(tag) =	ssettag $0x2  }
0x16f: {  	s0 =	rddreg [dreg:$0x0];
	s2 =	stileid.u32  }
0x170: {  	s1 =	rddreg [dreg:$0x1];
	p0 =	sne.s32 s2, $0x0  }
0x171: {  	s3 =	rddreg [dreg:$0x2];
	[bflag:$0x3] =	sbarrier.arrive $0xFFFF;
	s2 =	simm.s32 @!p0 $0x1C0B  }
0x172: {  	[timem:s3], [sflag:s2] =	dma.local @!p0 [hbm:s0], s1  }
0x173: {  	s0 =	simm.s32 @!p0 $0xB  }
0x174: {  	_ =	swait.ge @!p0 [sflag:s0], s1  }
0x175: {  	s1 =	ssub.s32 @!p0 $0x0, s1;
	[sflag:s0] =	ssyncset.done @!p0 $0x0  }
0x176: {  	[sflag:s0] =	ssyncadd.s32 @!p0 s1  }
0x177: {  	[bflag:$0x3] =	sbarrier.arrive $0xFFFF  }
0x178: {  	_ =	shalt  }

</sc_bundles>
